<compile_context>
chip_gen: v7x
topology: tpu7x:2x2x1
jax: 0.10.2.dev20260603
libtpu: 0.0.44.dev20260713+nightly
codegen_flags: <defaults>
</compile_context>

<pallas_src>
import functools

import jax
import jax.numpy as jnp
from jax import lax
from jax.experimental import pallas as pl
from jax.experimental.pallas import tpu as pltpu
from jax.experimental.pallas import tpu_sc as plsc

_BATCH = 64
_S = 512
_HALF = _S // 2
_NC = 2
_NS = 16
_NW = _NC * _NS
_IMGS_PER_W = _BATCH // _NW
_CH = 64
_SC_ROWS = 192
_CHUNKS = _SC_ROWS // _CH
_TC_ROWS = _S - _SC_ROWS
_TC_STEP = 64


def _seg_body(x_hbm, out_hbm, buf, outbuf, sem0, sem1):
    wid = lax.axis_index("s") * _NC + lax.axis_index("c")
    n0 = wid * _IMGS_PER_W
    sems = (sem0, sem1)
    zeros = jnp.zeros((16,), jnp.float32)

    def make_copy(t):
        i, c = divmod(t, _CHUNKS)
        base = (n0 + i) * _S + c * _CH
        return pltpu.make_async_copy(
            x_hbm.at[pl.ds(base, _CH), :], buf.at[t % 2], sems[t % 2]
        )

    def chunk_sums(slot):
        def row(r, carry):
            a0, a1, b0, b1 = carry
            for j in range(8):
                a0 = a0 + buf[slot, r, pl.ds(j * 32, 16)]
                a1 = a1 + buf[slot, r, pl.ds(j * 32 + 16, 16)]
                b0 = b0 + buf[slot, r, pl.ds(256 + j * 32, 16)]
                b1 = b1 + buf[slot, r, pl.ds(256 + j * 32 + 16, 16)]
            return a0, a1, b0, b1

        a0, a1, b0, b1 = lax.fori_loop(0, _CH, row, (zeros, zeros, zeros, zeros))
        return a0 + a1, b0 + b1

    def make_copy_dyn(t, slot):
        i = t // _CHUNKS
        c = t - i * _CHUNKS
        base = (n0 + i) * _S + c * _CH
        return pltpu.make_async_copy(
            x_hbm.at[pl.ds(base, _CH), :], buf.at[slot], sems[slot]
        )

    total = _IMGS_PER_W * _CHUNKS
    for s in range(2):
        make_copy(s).start()
    lane = lax.broadcasted_iota(jnp.int32, (16,), 0)

    def step(k, carry):
        atl, atr, vec = carry
        for s in range(2):
            t = 2 * k + s
            make_copy_dyn(t, s).wait()
            left, right = chunk_sums(s)

            @pl.when(t + 2 < total)
            def _prefetch():
                make_copy_dyn(t + 2, s).start()

            atl = atl + left
            atr = atr + right
            i = t // _CHUNKS
            last = (t - i * _CHUNKS) == (_CHUNKS - 1)
            vec = jnp.where(last & (lane == i * 8), jnp.sum(atl), vec)
            vec = jnp.where(last & (lane == i * 8 + 3), jnp.sum(atr), vec)
            atl = jnp.where(last, 0.0, atl)
            atr = jnp.where(last, 0.0, atr)
        return atl, atr, vec

    _, _, vec = lax.fori_loop(0, total // 2, step, (zeros, zeros, zeros))
    outbuf[...] = vec
    pltpu.sync_copy(outbuf, out_hbm.at[wid])


_seg_kernel = functools.partial(
    pl.kernel,
    out_type=jax.ShapeDtypeStruct((_NW, 16), jnp.float32),
    mesh=plsc.VectorSubcoreMesh(
        core_axis_name="c", subcore_axis_name="s", num_cores=_NC,
        num_subcores=_NS,
    ),
    scratch_types=[
        pltpu.VMEM((2, _CH, _S), jnp.float32),
        pltpu.VMEM((16,), jnp.float32),
        pltpu.SemaphoreType.DMA,
        pltpu.SemaphoreType.DMA,
    ],
    compiler_params=pltpu.CompilerParams(needs_layout_passes=False),
)(_seg_body)


def _bottom_body(x_ref, out_ref):
    blk = x_ref[...]
    bl = jnp.sum(blk[:, :, :_HALF], axis=(1, 2))
    br = jnp.sum(blk[:, :, _HALF:], axis=(1, 2))
    j = pl.program_id(0)
    base = jnp.where(_SC_ROWS + j * _TC_STEP < _HALF, 2, 0)
    lane = lax.broadcasted_iota(jnp.int32, (_BATCH, 1, 8), 2)
    vals = jnp.where(lane == base, bl[:, None, None],
                     jnp.where(lane == base + 1, br[:, None, None], 0.0))

    @pl.when(j == 0)
    def _init():
        out_ref[...] = vals

    @pl.when(j != 0)
    def _acc():
        out_ref[...] = out_ref[...] + vals


def _bottom_sums(x):
    return pl.pallas_call(
        _bottom_body,
        grid=(_TC_ROWS // _TC_STEP,),
        in_specs=[pl.BlockSpec((_BATCH, _TC_STEP, _S),
                               lambda j: (0, _SC_ROWS // _TC_STEP + j, 0))],
        out_specs=pl.BlockSpec((_BATCH, 1, 8), lambda j: (0, 0, 0)),
        out_shape=jax.ShapeDtypeStruct((_BATCH, 1, 8), jnp.float32),
    )(x)


def _epilogue_body(sc_ref, tc_ref, v_ref, g_ref, bias_ref, fcw_ref, fcb_ref,
                   out_ref):
    sc = sc_ref[...]
    v = v_ref[...]
    vnorm = jnp.sqrt(jnp.sum(v * v, axis=(1, 2), keepdims=True))
    w = (g_ref[...] * v / vnorm)[:, 0, :]
    fcw = fcw_ref[...]
    a = jnp.sum(w[None, :, :] * fcw, axis=2)
    const = fcb_ref[...] + jnp.sum(bias_ref[...][None, :, :] * fcw,
                                   axis=(1, 2))
    for i in range(2):
        tc = tc_ref[:, i, :]
        b = 8 * i
        seg = jnp.concatenate(
            [sc[:, b:b + 1] + tc[:, 2:3], sc[:, b + 1:b + 2] + tc[:, 0:1],
             sc[:, b + 2:b + 3] + tc[:, 1:2], sc[:, b + 3:b + 4] + tc[:, 3:4]],
            axis=1)
        out_ref[:, i, :] = (
            jnp.dot(seg, a.T, preferred_element_type=jnp.float32)
            + const[None, :]
        )


def _epilogue(sc_out, tc_out, v, g, bias, fcw3, fc_b):
    return pl.pallas_call(
        _epilogue_body,
        out_shape=jax.ShapeDtypeStruct((_NW, 2, 10), jnp.float32),
    )(sc_out, tc_out, v, g, bias, fcw3, fc_b)


def kernel(x, v, g, bias, fc_w, fc_b, segment_ids):
    del segment_ids
    x2 = x.reshape(_BATCH * _S, _S)
    sc_out = _seg_kernel(x2)
    tc_out = _bottom_sums(x).reshape(_NW, 2, 8)
    fcw3 = fc_w.reshape(10, 4, 4)
    out = _epilogue(sc_out, tc_out, v, g, bias, fcw3, fc_b)
    return out.reshape(_BATCH, 10)

# --- scband reference (transcript-rebuilt; emitter-appended) ---
"""Pipeline reference for scband-quad-classifier0-22411139350996 (READ-ONLY COPY).

The authoritative reference and input builder live on the scoring server;
editing this copy changes nothing except your own understanding.
"""

import jax, jax.numpy as jnp
import numpy as np

S = 512
N_CLASSES = 10
BATCH = 64
NOUT, CIN, COUT = 4, 1, 4


def quadrant_segment_ids(s):
    quads = np.zeros((s, s), dtype=np.int32)
    quads[:s // 2, :s // 2] = 0
    quads[s // 2:, :s // 2] = 1
    quads[s // 2:, s // 2:] = 2
    quads[:s // 2, s // 2:] = 3
    return quads.reshape(s * s)


def setup_inputs(seed: int = 0):
    key = jax.random.key(seed)
    ks = jax.random.split(key, 6)
    x = jax.random.normal(ks[0], (BATCH, S, S), dtype=jnp.float32)
    # weight-normed FGL params: per-output-node linear map cin=1 -> cout=4
    v = jax.random.normal(ks[1], (NOUT, CIN, COUT), dtype=jnp.float32)
    g = jax.random.normal(ks[2], (NOUT, 1, 1), dtype=jnp.float32)
    bias = jax.random.normal(ks[3], (NOUT, COUT), dtype=jnp.float32) * 0.01
    fc_w = jax.random.normal(ks[4], (N_CLASSES, NOUT * COUT), dtype=jnp.float32) * (1.0 / np.sqrt(NOUT * COUT))
    fc_b = jnp.zeros((N_CLASSES,), dtype=jnp.float32)
    segment_ids = jnp.asarray(quadrant_segment_ids(S))
    return {"x": x, "v": v, "g": g, "bias": bias, "fc_w": fc_w, "fc_b": fc_b, "segment_ids": segment_ids}


def reference(x, v, g, bias, fc_w, fc_b, segment_ids):
    N = x.shape[0]
    xf = x.reshape(N, -1)  # (N, s*s), single input channel (cin=1)
    # FGL with reduction='sum': segment-sum nodes into the 4 quadrant output nodes
    seg = jax.ops.segment_sum(xf.T, segment_ids, num_segments=NOUT)  # (nout, N)
    # weight norm: W = g * v / ||v||
    vnorm = jnp.sqrt(jnp.sum(v * v, axis=(1, 2), keepdims=True))
    W = g * v / vnorm  # (nout, cin, cout)
    # op_order '213': reduce first, then apply per-node channel map (cin=1 -> broadcast multiply)
    y = seg.T[:, :, None] * W[None, :, 0, :] + bias[None, :, :]  # (N, nout, cout)
    flat = y.reshape(N, NOUT * COUT)
    return flat @ fc_w.T + fc_b  # (N, n_classes)

if __name__ == "__main__":
    import jax
    _d = setup_inputs()
    print(jax.jit(kernel)(*tuple(_d.values())))

</pallas_src>

<mosaic_0001>
#map = affine_map<(d0, d1) -> (0, 0)>
module attributes {stable_mosaic.version = 14 : i64} {
  func.func @_seg_body(%arg0: i32, %arg1: i32, %arg2: memref<32768x512xf32, #tpu.memory_space<hbm>>, %arg3: memref<32x16xf32, #tpu.memory_space<hbm>>, %arg4: memref<2x64x512xf32, #tpu.memory_space<vmem>>, %arg5: memref<16xf32, #tpu.memory_space<vmem>>, %arg6: memref<!tpu.dma_semaphore, #tpu.memory_space<semaphore_mem>>, %arg7: memref<!tpu.dma_semaphore, #tpu.memory_space<semaphore_mem>>) attributes {dimension_semantics = [#tpu.dimension_semantics<core_parallel>, #tpu.dimension_semantics<subcore_parallel>], iteration_bounds = array<i64: 2, 16>, scalar_prefetch = 0 : i64, scratch_operands = 4 : i64, tpu.core_type = #tpu.core_type<sc_vector_subcore>, window_params = [{transform_indices = #map}, {transform_indices = #map}]} {
    %mul3A = arith.constant 2 : i32
    %mul3A_0 = arith.muli %arg1, %mul3A : i32
    %add3A = arith.addi %mul3A_0, %arg0 : i32
    %mul3A_1 = arith.constant 2 : i32
    %mul3A_2 = arith.muli %add3A, %mul3A_1 : i32
    %broadcast_in_dim3A = arith.constant 0.000000e+00 : f32
    %broadcast_in_dim3A_3 = vector.broadcast %broadcast_in_dim3A : f32 to vector<16xf32>
    %add3A_4 = arith.constant 0 : i32
    %add3A_5 = arith.addi %mul3A_2, %add3A_4 : i32
    %mul3A_6 = arith.constant 512 : i32
    %mul3A_7 = arith.muli %add3A_5, %mul3A_6 : i32
    %add3A_8 = arith.constant 0 : i32
    %add3A_9 = arith.addi %mul3A_7, %add3A_8 : i32
    %dma_start3A = arith.constant 0 : i32
    %dma_start3A_10 = arith.constant 0 : i32
    %dma_start3A_11 = arith.constant 0 : i32
    %dma_start3A_12 = tpu.memref_slice %arg4[%dma_start3A, %dma_start3A_10, %dma_start3A_11] : memref<2x64x512xf32, #tpu.memory_space<vmem>> -> memref<1x64x512xf32, #tpu.memory_space<vmem>>
    %dma_start3A_13 = tpu.memref_squeeze %dma_start3A_12 : memref<1x64x512xf32, #tpu.memory_space<vmem>> -> memref<64x512xf32, #tpu.memory_space<vmem>>
    %dma_start3A_14 = arith.constant 0 : i32
    %dma_start3A_15 = tpu.memref_slice %arg2[%add3A_9, %dma_start3A_14] : memref<32768x512xf32, #tpu.memory_space<hbm>> -> memref<64x512xf32, #tpu.memory_space<hbm>>
    %dma_start3A_16 = arith.constant 0 : i32
    %dma_start3A_17 = arith.constant 0 : i32
    %dma_start3A_18 = tpu.memref_slice %arg4[%dma_start3A, %dma_start3A_16, %dma_start3A_17] : memref<2x64x512xf32, #tpu.memory_space<vmem>> -> memref<1x64x512xf32, #tpu.memory_space<vmem>>
    %dma_start3A_19 = tpu.memref_squeeze %dma_start3A_18 : memref<1x64x512xf32, #tpu.memory_space<vmem>> -> memref<64x512xf32, #tpu.memory_space<vmem>>
    %dma_start3A_20 = arith.constant 0 : i32
    %dma_start3A_21 = tpu.memref_slice %arg2[%add3A_9, %dma_start3A_20] : memref<32768x512xf32, #tpu.memory_space<hbm>> -> memref<64x512xf32, #tpu.memory_space<hbm>>
    tpu.enqueue_dma source(%dma_start3A_21 : memref<64x512xf32, #tpu.memory_space<hbm>>) target(%dma_start3A_19 : memref<64x512xf32, #tpu.memory_space<vmem>>) target_semaphore(%arg6 : memref<!tpu.dma_semaphore, #tpu.memory_space<semaphore_mem>>)
    %add3A_22 = arith.constant 0 : i32
    %add3A_23 = arith.addi %mul3A_2, %add3A_22 : i32
    %mul3A_24 = arith.constant 512 : i32
    %mul3A_25 = arith.muli %add3A_23, %mul3A_24 : i32
    %add3A_26 = arith.constant 64 : i32
    %add3A_27 = arith.addi %mul3A_25, %add3A_26 : i32
    %dma_start3A_28 = arith.constant 1 : i32
    %dma_start3A_29 = arith.constant 0 : i32
    %dma_start3A_30 = arith.constant 0 : i32
    %dma_start3A_31 = tpu.memref_slice %arg4[%dma_start3A_28, %dma_start3A_29, %dma_start3A_30] : memref<2x64x512xf32, #tpu.memory_space<vmem>> -> memref<1x64x512xf32, #tpu.memory_space<vmem>>
    %dma_start3A_32 = tpu.memref_squeeze %dma_start3A_31 : memref<1x64x512xf32, #tpu.memory_space<vmem>> -> memref<64x512xf32, #tpu.memory_space<vmem>>
    %dma_start3A_33 = arith.constant 0 : i32
    %dma_start3A_34 = tpu.memref_slice %arg2[%add3A_27, %dma_start3A_33] : memref<32768x512xf32, #tpu.memory_space<hbm>> -> memref<64x512xf32, #tpu.memory_space<hbm>>
    %dma_start3A_35 = arith.constant 0 : i32
    %dma_start3A_36 = arith.constant 0 : i32
    %dma_start3A_37 = tpu.memref_slice %arg4[%dma_start3A_28, %dma_start3A_35, %dma_start3A_36] : memref<2x64x512xf32, #tpu.memory_space<vmem>> -> memref<1x64x512xf32, #tpu.memory_space<vmem>>
    %dma_start3A_38 = tpu.memref_squeeze %dma_start3A_37 : memref<1x64x512xf32, #tpu.memory_space<vmem>> -> memref<64x512xf32, #tpu.memory_space<vmem>>
    %dma_start3A_39 = arith.constant 0 : i32
    %dma_start3A_40 = tpu.memref_slice %arg2[%add3A_27, %dma_start3A_39] : memref<32768x512xf32, #tpu.memory_space<hbm>> -> memref<64x512xf32, #tpu.memory_space<hbm>>
    tpu.enqueue_dma source(%dma_start3A_40 : memref<64x512xf32, #tpu.memory_space<hbm>>) target(%dma_start3A_38 : memref<64x512xf32, #tpu.memory_space<vmem>>) target_semaphore(%arg7 : memref<!tpu.dma_semaphore, #tpu.memory_space<semaphore_mem>>)
    %iota3A = tpu.iota {dimensions = array<i32: 0>} : vector<16xi32>
    %scan3A = arith.constant 0 : i32
    %scan3A_41 = arith.constant 3 : i32
    %scan3A_42 = arith.addi %scan3A, %scan3A_41 : i32
    %scan3A_43 = arith.constant 1 : i32
    %scan3A_44:3 = scf.for %scan3A_47 = %scan3A to %scan3A_42 step %scan3A_43 iter_args(%scan3A_48 = %broadcast_in_dim3A_3, %scan3A_49 = %broadcast_in_dim3A_3, %scan3A_50 = %broadcast_in_dim3A_3) -> (vector<16xf32>, vector<16xf32>, vector<16xf32>)  : i32 {
      %mul3A_51 = arith.constant 2 : i32
      %mul3A_52 = arith.muli %mul3A_51, %scan3A_47 : i32
      %add3A_53 = arith.constant 0 : i32
      %add3A_54 = arith.addi %mul3A_52, %add3A_53 : i32
      %jit3A = arith.constant 3 : i32
      %div3A = arith.divsi %add3A_54, %jit3A : i32
      %sign3A = arith.constant 0 : i32
      %sign3A_55 = arith.cmpi sgt, %add3A_54, %sign3A : i32
      %sign3A_56 = arith.extui %sign3A_55 : i1 to i32
      %sign3A_57 = arith.constant 0 : i32
      %sign3A_58 = arith.cmpi slt, %add3A_54, %sign3A_57 : i32
      %sign3A_59 = arith.extui %sign3A_58 : i1 to i32
      %sign3A_60 = arith.subi %sign3A_56, %sign3A_59 : i32
      %sign3A_61 = arith.constant 0 : i32
      %sign3A_62 = arith.cmpi sgt, %jit3A, %sign3A_61 : i32
      %sign3A_63 = arith.extui %sign3A_62 : i1 to i32
      %sign3A_64 = arith.constant 0 : i32
      %sign3A_65 = arith.cmpi slt, %jit3A, %sign3A_64 : i32
      %sign3A_66 = arith.extui %sign3A_65 : i1 to i32
      %sign3A_67 = arith.subi %sign3A_63, %sign3A_66 : i32
      %ne3A = arith.cmpi ne, %sign3A_60, %sign3A_67 : i32
      %rem3A = arith.remsi %add3A_54, %jit3A : i32
      %ne3A_68 = arith.constant 0 : i32
      %ne3A_69 = arith.cmpi ne, %rem3A, %ne3A_68 : i32
      %and3A = arith.andi %ne3A, %ne3A_69 : i1
      %sub3A = arith.constant 1 : i32
      %sub3A_70 = arith.subi %div3A, %sub3A : i32
      %select_n3A = arith.select %and3A, %sub3A_70, %div3A : i32
      %mul3A_71 = arith.constant 3 : i32
      %mul3A_72 = arith.muli %select_n3A, %mul3A_71 : i32
      %sub3A_73 = arith.subi %add3A_54, %mul3A_72 : i32
      %add3A_74 = arith.addi %mul3A_2, %select_n3A : i32
      %mul3A_75 = arith.constant 512 : i32
      %mul3A_76 = arith.muli %add3A_74, %mul3A_75 : i32
      %mul3A_77 = arith.constant 64 : i32
      %mul3A_78 = arith.muli %sub3A_73, %mul3A_77 : i32
      %add3A_79 = arith.addi %mul3A_76, %mul3A_78 : i32
      %dma_wait3A = arith.constant 0 : i32
      %dma_wait3A_80 = arith.constant 0 : i32
      %dma_wait3A_81 = arith.constant 0 : i32
      %dma_wait3A_82 = tpu.memref_slice %arg4[%dma_wait3A, %dma_wait3A_80, %dma_wait3A_81] : memref<2x64x512xf32, #tpu.memory_space<vmem>> -> memref<1x64x512xf32, #tpu.memory_space<vmem>>
      %dma_wait3A_83 = tpu.memref_squeeze %dma_wait3A_82 : memref<1x64x512xf32, #tpu.memory_space<vmem>> -> memref<64x512xf32, #tpu.memory_space<vmem>>
      %dma_wait3A_84 = arith.constant 0 : i32
      %dma_wait3A_85 = tpu.memref_slice %arg2[%add3A_79, %dma_wait3A_84] : memref<32768x512xf32, #tpu.memory_space<hbm>> -> memref<64x512xf32, #tpu.memory_space<hbm>>
      %dma_wait3A_86 = arith.constant 0 : i32
      %dma_wait3A_87 = arith.constant 0 : i32
      %dma_wait3A_88 = tpu.memref_slice %arg4[%dma_wait3A, %dma_wait3A_86, %dma_wait3A_87] : memref<2x64x512xf32, #tpu.memory_space<vmem>> -> memref<1x64x512xf32, #tpu.memory_space<vmem>>
      %dma_wait3A_89 = tpu.memref_squeeze %dma_wait3A_88 : memref<1x64x512xf32, #tpu.memory_space<vmem>> -> memref<64x512xf32, #tpu.memory_space<vmem>>
      %dma_wait3A_90 = arith.constant 0 : i32
      %dma_wait3A_91 = tpu.memref_slice %arg2[%add3A_79, %dma_wait3A_90] : memref<32768x512xf32, #tpu.memory_space<hbm>> -> memref<64x512xf32, #tpu.memory_space<hbm>>
      tpu.wait_dma2 semaphore(%arg6 : memref<!tpu.dma_semaphore, #tpu.memory_space<semaphore_mem>>) src(%dma_wait3A_91 : memref<64x512xf32, #tpu.memory_space<hbm>>) dst(%dma_wait3A_89 : memref<64x512xf32, #tpu.memory_space<vmem>>)
      %scan3A_92 = arith.constant 0 : i32
      %scan3A_93 = arith.constant 64 : i32
      %scan3A_94 = arith.addi %scan3A_92, %scan3A_93 : i32
      %scan3A_95 = arith.constant 1 : i32
      %scan3A_96:4 = scf.for %scan3A_293 = %scan3A_92 to %scan3A_94 step %scan3A_95 iter_args(%scan3A_294 = %broadcast_in_dim3A_3, %scan3A_295 = %broadcast_in_dim3A_3, %scan3A_296 = %broadcast_in_dim3A_3, %scan3A_297 = %broadcast_in_dim3A_3) -> (vector<16xf32>, vector<16xf32>, vector<16xf32>, vector<16xf32>)  : i32 {
        %get3A = arith.constant 0 : i32
        %get3A_298 = arith.index_cast %get3A : i32 to index
        %get3A_299 = arith.index_cast %scan3A_293 : i32 to index
        %get3A_300 = arith.constant 0 : index
        %get3A_301 = tpu.vector_load %arg4[%get3A_298, %get3A_299, %get3A_300] {strides = array<i32>} : memref<2x64x512xf32, #tpu.memory_space<vmem>>, vector<16xf32>,
        %add3A_302 = arith.addf %scan3A_294, %get3A_301 : vector<16xf32>
        %get3A_303 = arith.constant 0 : i32
        %get3A_304 = arith.index_cast %get3A_303 : i32 to index
        %get3A_305 = arith.index_cast %scan3A_293 : i32 to index
        %get3A_306 = arith.constant 16 : index
        %get3A_307 = tpu.vector_load %arg4[%get3A_304, %get3A_305, %get3A_306] {strides = array<i32>} : memref<2x64x512xf32, #tpu.memory_space<vmem>>, vector<16xf32>,
        %add3A_308 = arith.addf %scan3A_295, %get3A_307 : vector<16xf32>
        %get3A_309 = arith.constant 0 : i32
        %get3A_310 = arith.index_cast %get3A_309 : i32 to index
        %get3A_311 = arith.index_cast %scan3A_293 : i32 to index
        %get3A_312 = arith.constant 256 : index
        %get3A_313 = tpu.vector_load %arg4[%get3A_310, %get3A_311, %get3A_312] {strides = array<i32>} : memref<2x64x512xf32, #tpu.memory_space<vmem>>, vector<16xf32>,
        %add3A_314 = arith.addf %scan3A_296, %get3A_313 : vector<16xf32>
        %get3A_315 = arith.constant 0 : i32
        %get3A_316 = arith.index_cast %get3A_315 : i32 to index
        %get3A_317 = arith.index_cast %scan3A_293 : i32 to index
        %get3A_318 = arith.constant 272 : index
        %get3A_319 = tpu.vector_load %arg4[%get3A_316, %get3A_317, %get3A_318] {strides = array<i32>} : memref<2x64x512xf32, #tpu.memory_space<vmem>>, vector<16xf32>,
        %add3A_320 = arith.addf %scan3A_297, %get3A_319 : vector<16xf32>
        %get3A_321 = arith.constant 0 : i32
        %get3A_322 = arith.index_cast %get3A_321 : i32 to index
        %get3A_323 = arith.index_cast %scan3A_293 : i32 to index
        %get3A_324 = arith.constant 32 : index
        %get3A_325 = tpu.vector_load %arg4[%get3A_322, %get3A_323, %get3A_324] {strides = array<i32>} : memref<2x64x512xf32, #tpu.memory_space<vmem>>, vector<16xf32>,
        %add3A_326 = arith.addf %add3A_302, %get3A_325 : vector<16xf32>
        %get3A_327 = arith.constant 0 : i32
        %get3A_328 = arith.index_cast %get3A_327 : i32 to index
        %get3A_329 = arith.index_cast %scan3A_293 : i32 to index
        %get3A_330 = arith.constant 48 : index
        %get3A_331 = tpu.vector_load %arg4[%get3A_328, %get3A_329, %get3A_330] {strides = array<i32>} : memref<2x64x512xf32, #tpu.memory_space<vmem>>, vector<16xf32>,
        %add3A_332 = arith.addf %add3A_308, %get3A_331 : vector<16xf32>
        %get3A_333 = arith.constant 0 : i32
        %get3A_334 = arith.index_cast %get3A_333 : i32 to index
        %get3A_335 = arith.index_cast %scan3A_293 : i32 to index
        %get3A_336 = arith.constant 288 : index
        %get3A_337 = tpu.vector_load %arg4[%get3A_334, %get3A_335, %get3A_336] {strides = array<i32>} : memref<2x64x512xf32, #tpu.memory_space<vmem>>, vector<16xf32>,
        %add3A_338 = arith.addf %add3A_314, %get3A_337 : vector<16xf32>
        %get3A_339 = arith.constant 0 : i32
        %get3A_340 = arith.index_cast %get3A_339 : i32 to index
        %get3A_341 = arith.index_cast %scan3A_293 : i32 to index
        %get3A_342 = arith.constant 304 : index
        %get3A_343 = tpu.vector_load %arg4[%get3A_340, %get3A_341, %get3A_342] {strides = array<i32>} : memref<2x64x512xf32, #tpu.memory_space<vmem>>, vector<16xf32>,
        %add3A_344 = arith.addf %add3A_320, %get3A_343 : vector<16xf32>
        %get3A_345 = arith.constant 0 : i32
        %get3A_346 = arith.index_cast %get3A_345 : i32 to index
        %get3A_347 = arith.index_cast %scan3A_293 : i32 to index
        %get3A_348 = arith.constant 64 : index
        %get3A_349 = tpu.vector_load %arg4[%get3A_346, %get3A_347, %get3A_348] {strides = array<i32>} : memref<2x64x512xf32, #tpu.memory_space<vmem>>, vector<16xf32>,
        %add3A_350 = arith.addf %add3A_326, %get3A_349 : vector<16xf32>
        %get3A_351 = arith.constant 0 : i32
        %get3A_352 = arith.index_cast %get3A_351 : i32 to index
        %get3A_353 = arith.index_cast %scan3A_293 : i32 to index
        %get3A_354 = arith.constant 80 : index
        %get3A_355 = tpu.vector_load %arg4[%get3A_352, %get3A_353, %get3A_354] {strides = array<i32>} : memref<2x64x512xf32, #tpu.memory_space<vmem>>, vector<16xf32>,
        %add3A_356 = arith.addf %add3A_332, %get3A_355 : vector<16xf32>
        %get3A_357 = arith.constant 0 : i32
        %get3A_358 = arith.index_cast %get3A_357 : i32 to index
        %get3A_359 = arith.index_cast %scan3A_293 : i32 to index
        %get3A_360 = arith.constant 320 : index
        %get3A_361 = tpu.vector_load %arg4[%get3A_358, %get3A_359, %get3A_360] {strides = array<i32>} : memref<2x64x512xf32, #tpu.memory_space<vmem>>, vector<16xf32>,
        %add3A_362 = arith.addf %add3A_338, %get3A_361 : vector<16xf32>
        %get3A_363 = arith.constant 0 : i32
        %get3A_364 = arith.index_cast %get3A_363 : i32 to index
        %get3A_365 = arith.index_cast %scan3A_293 : i32 to index
        %get3A_366 = arith.constant 336 : index
        %get3A_367 = tpu.vector_load %arg4[%get3A_364, %get3A_365, %get3A_366] {strides = array<i32>} : memref<2x64x512xf32, #tpu.memory_space<vmem>>, vector<16xf32>,
        %add3A_368 = arith.addf %add3A_344, %get3A_367 : vector<16xf32>
        %get3A_369 = arith.constant 0 : i32
        %get3A_370 = arith.index_cast %get3A_369 : i32 to index
        %get3A_371 = arith.index_cast %scan3A_293 : i32 to index
        %get3A_372 = arith.constant 96 : index
        %get3A_373 = tpu.vector_load %arg4[%get3A_370, %get3A_371, %get3A_372] {strides = array<i32>} : memref<2x64x512xf32, #tpu.memory_space<vmem>>, vector<16xf32>,
        %add3A_374 = arith.addf %add3A_350, %get3A_373 : vector<16xf32>
        %get3A_375 = arith.constant 0 : i32
        %get3A_376 = arith.index_cast %get3A_375 : i32 to index
        %get3A_377 = arith.index_cast %scan3A_293 : i32 to index
        %get3A_378 = arith.constant 112 : index
        %get3A_379 = tpu.vector_load %arg4[%get3A_376, %get3A_377, %get3A_378] {strides = array<i32>} : memref<2x64x512xf32, #tpu.memory_space<vmem>>, vector<16xf32>,
        %add3A_380 = arith.addf %add3A_356, %get3A_379 : vector<16xf32>
        %get3A_381 = arith.constant 0 : i32
        %get3A_382 = arith.index_cast %get3A_381 : i32 to index
        %get3A_383 = arith.index_cast %scan3A_293 : i32 to index
        %get3A_384 = arith.constant 352 : index
        %get3A_385 = tpu.vector_load %arg4[%get3A_382, %get3A_383, %get3A_384] {strides = array<i32>} : memref<2x64x512xf32, #tpu.memory_space<vmem>>, vector<16xf32>,
        %add3A_386 = arith.addf %add3A_362, %get3A_385 : vector<16xf32>
        %get3A_387 = arith.constant 0 : i32
        %get3A_388 = arith.index_cast %get3A_387 : i32 to index
        %get3A_389 = arith.index_cast %scan3A_293 : i32 to index
        %get3A_390 = arith.constant 368 : index
        %get3A_391 = tpu.vector_load %arg4[%get3A_388, %get3A_389, %get3A_390] {strides = array<i32>} : memref<2x64x512xf32, #tpu.memory_space<vmem>>, vector<16xf32>,
        %add3A_392 = arith.addf %add3A_368, %get3A_391 : vector<16xf32>
        %get3A_393 = arith.constant 0 : i32
        %get3A_394 = arith.index_cast %get3A_393 : i32 to index
        %get3A_395 = arith.index_cast %scan3A_293 : i32 to index
        %get3A_396 = arith.constant 128 : index
        %get3A_397 = tpu.vector_load %arg4[%get3A_394, %get3A_395, %get3A_396] {strides = array<i32>} : memref<2x64x512xf32, #tpu.memory_space<vmem>>, vector<16xf32>,
        %add3A_398 = arith.addf %add3A_374, %get3A_397 : vector<16xf32>
        %get3A_399 = arith.constant 0 : i32
        %get3A_400 = arith.index_cast %get3A_399 : i32 to index
        %get3A_401 = arith.index_cast %scan3A_293 : i32 to index
        %get3A_402 = arith.constant 144 : index
        %get3A_403 = tpu.vector_load %arg4[%get3A_400, %get3A_401, %get3A_402] {strides = array<i32>} : memref<2x64x512xf32, #tpu.memory_space<vmem>>, vector<16xf32>,
        %add3A_404 = arith.addf %add3A_380, %get3A_403 : vector<16xf32>
        %get3A_405 = arith.constant 0 : i32
        %get3A_406 = arith.index_cast %get3A_405 : i32 to index
        %get3A_407 = arith.index_cast %scan3A_293 : i32 to index
        %get3A_408 = arith.constant 384 : index
        %get3A_409 = tpu.vector_load %arg4[%get3A_406, %get3A_407, %get3A_408] {strides = array<i32>} : memref<2x64x512xf32, #tpu.memory_space<vmem>>, vector<16xf32>,
        %add3A_410 = arith.addf %add3A_386, %get3A_409 : vector<16xf32>
        %get3A_411 = arith.constant 0 : i32
        %get3A_412 = arith.index_cast %get3A_411 : i32 to index
        %get3A_413 = arith.index_cast %scan3A_293 : i32 to index
        %get3A_414 = arith.constant 400 : index
        %get3A_415 = tpu.vector_load %arg4[%get3A_412, %get3A_413, %get3A_414] {strides = array<i32>} : memref<2x64x512xf32, #tpu.memory_space<vmem>>, vector<16xf32>,
        %add3A_416 = arith.addf %add3A_392, %get3A_415 : vector<16xf32>
        %get3A_417 = arith.constant 0 : i32
        %get3A_418 = arith.index_cast %get3A_417 : i32 to index
        %get3A_419 = arith.index_cast %scan3A_293 : i32 to index
        %get3A_420 = arith.constant 160 : index
        %get3A_421 = tpu.vector_load %arg4[%get3A_418, %get3A_419, %get3A_420] {strides = array<i32>} : memref<2x64x512xf32, #tpu.memory_space<vmem>>, vector<16xf32>,
        %add3A_422 = arith.addf %add3A_398, %get3A_421 : vector<16xf32>
        %get3A_423 = arith.constant 0 : i32
        %get3A_424 = arith.index_cast %get3A_423 : i32 to index
        %get3A_425 = arith.index_cast %scan3A_293 : i32 to index
        %get3A_426 = arith.constant 176 : index
        %get3A_427 = tpu.vector_load %arg4[%get3A_424, %get3A_425, %get3A_426] {strides = array<i32>} : memref<2x64x512xf32, #tpu.memory_space<vmem>>, vector<16xf32>,
        %add3A_428 = arith.addf %add3A_404, %get3A_427 : vector<16xf32>
        %get3A_429 = arith.constant 0 : i32
        %get3A_430 = arith.index_cast %get3A_429 : i32 to index
        %get3A_431 = arith.index_cast %scan3A_293 : i32 to index
        %get3A_432 = arith.constant 416 : index
        %get3A_433 = tpu.vector_load %arg4[%get3A_430, %get3A_431, %get3A_432] {strides = array<i32>} : memref<2x64x512xf32, #tpu.memory_space<vmem>>, vector<16xf32>,
        %add3A_434 = arith.addf %add3A_410, %get3A_433 : vector<16xf32>
        %get3A_435 = arith.constant 0 : i32
        %get3A_436 = arith.index_cast %get3A_435 : i32 to index
        %get3A_437 = arith.index_cast %scan3A_293 : i32 to index
        %get3A_438 = arith.constant 432 : index
        %get3A_439 = tpu.vector_load %arg4[%get3A_436, %get3A_437, %get3A_438] {strides = array<i32>} : memref<2x64x512xf32, #tpu.memory_space<vmem>>, vector<16xf32>,
        %add3A_440 = arith.addf %add3A_416, %get3A_439 : vector<16xf32>
        %get3A_441 = arith.constant 0 : i32
        %get3A_442 = arith.index_cast %get3A_441 : i32 to index
        %get3A_443 = arith.index_cast %scan3A_293 : i32 to index
        %get3A_444 = arith.constant 192 : index
        %get3A_445 = tpu.vector_load %arg4[%get3A_442, %get3A_443, %get3A_444] {strides = array<i32>} : memref<2x64x512xf32, #tpu.memory_space<vmem>>, vector<16xf32>,
        %add3A_446 = arith.addf %add3A_422, %get3A_445 : vector<16xf32>
        %get3A_447 = arith.constant 0 : i32
        %get3A_448 = arith.index_cast %get3A_447 : i32 to index
        %get3A_449 = arith.index_cast %scan3A_293 : i32 to index
        %get3A_450 = arith.constant 208 : index
        %get3A_451 = tpu.vector_load %arg4[%get3A_448, %get3A_449, %get3A_450] {strides = array<i32>} : memref<2x64x512xf32, #tpu.memory_space<vmem>>, vector<16xf32>,
        %add3A_452 = arith.addf %add3A_428, %get3A_451 : vector<16xf32>
        %get3A_453 = arith.constant 0 : i32
        %get3A_454 = arith.index_cast %get3A_453 : i32 to index
        %get3A_455 = arith.index_cast %scan3A_293 : i32 to index
        %get3A_456 = arith.constant 448 : index
        %get3A_457 = tpu.vector_load %arg4[%get3A_454, %get3A_455, %get3A_456] {strides = array<i32>} : memref<2x64x512xf32, #tpu.memory_space<vmem>>, vector<16xf32>,
        %add3A_458 = arith.addf %add3A_434, %get3A_457 : vector<16xf32>
        %get3A_459 = arith.constant 0 : i32
        %get3A_460 = arith.index_cast %get3A_459 : i32 to index
        %get3A_461 = arith.index_cast %scan3A_293 : i32 to index
        %get3A_462 = arith.constant 464 : index
        %get3A_463 = tpu.vector_load %arg4[%get3A_460, %get3A_461, %get3A_462] {strides = array<i32>} : memref<2x64x512xf32, #tpu.memory_space<vmem>>, vector<16xf32>,
        %add3A_464 = arith.addf %add3A_440, %get3A_463 : vector<16xf32>
        %get3A_465 = arith.constant 0 : i32
        %get3A_466 = arith.index_cast %get3A_465 : i32 to index
        %get3A_467 = arith.index_cast %scan3A_293 : i32 to index
        %get3A_468 = arith.constant 224 : index
        %get3A_469 = tpu.vector_load %arg4[%get3A_466, %get3A_467, %get3A_468] {strides = array<i32>} : memref<2x64x512xf32, #tpu.memory_space<vmem>>, vector<16xf32>,
        %add3A_470 = arith.addf %add3A_446, %get3A_469 : vector<16xf32>
        %get3A_471 = arith.constant 0 : i32
        %get3A_472 = arith.index_cast %get3A_471 : i32 to index
        %get3A_473 = arith.index_cast %scan3A_293 : i32 to index
        %get3A_474 = arith.constant 240 : index
        %get3A_475 = tpu.vector_load %arg4[%get3A_472, %get3A_473, %get3A_474] {strides = array<i32>} : memref<2x64x512xf32, #tpu.memory_space<vmem>>, vector<16xf32>,
        %add3A_476 = arith.addf %add3A_452, %get3A_475 : vector<16xf32>
        %get3A_477 = arith.constant 0 : i32
        %get3A_478 = arith.index_cast %get3A_477 : i32 to index
        %get3A_479 = arith.index_cast %scan3A_293 : i32 to index
        %get3A_480 = arith.constant 480 : index
        %get3A_481 = tpu.vector_load %arg4[%get3A_478, %get3A_479, %get3A_480] {strides = array<i32>} : memref<2x64x512xf32, #tpu.memory_space<vmem>>, vector<16xf32>,
        %add3A_482 = arith.addf %add3A_458, %get3A_481 : vector<16xf32>
        %get3A_483 = arith.constant 0 : i32
        %get3A_484 = arith.index_cast %get3A_483 : i32 to index
        %get3A_485 = arith.index_cast %scan3A_293 : i32 to index
        %get3A_486 = arith.constant 496 : index
        %get3A_487 = tpu.vector_load %arg4[%get3A_484, %get3A_485, %get3A_486] {strides = array<i32>} : memref<2x64x512xf32, #tpu.memory_space<vmem>>, vector<16xf32>,
        %add3A_488 = arith.addf %add3A_464, %get3A_487 : vector<16xf32>
        scf.yield %add3A_470, %add3A_476, %add3A_482, %add3A_488 : vector<16xf32>, vector<16xf32>, vector<16xf32>, vector<16xf32>
      }
      %scan3A_97 = arith.constant 64 : i32
      %add3A_98 = arith.addf %scan3A_96#0, %scan3A_96#1 : vector<16xf32>
      %add3A_99 = arith.addf %scan3A_96#2, %scan3A_96#3 : vector<16xf32>
      %add3A_100 = arith.constant 2 : i32
      %add3A_101 = arith.addi %add3A_54, %add3A_100 : i32
      %lt3A = arith.constant 6 : i32
      %lt3A_102 = arith.cmpi slt, %add3A_101, %lt3A : i32
      %convert_element_type3A = arith.extui %lt3A_102 : i1 to i32
      %cond3A = arith.constant 0 : i32
      %cond3A_103 = arith.cmpi ne, %convert_element_type3A, %cond3A : i32
      scf.if %cond3A_103 {
        %add3A_293 = arith.constant 2 : i32
        %add3A_294 = arith.addi %add3A_54, %add3A_293 : i32
        %jit3A_295 = arith.constant 3 : i32
        %div3A_296 = arith.divsi %add3A_294, %jit3A_295 : i32
        %sign3A_297 = arith.constant 0 : i32
        %sign3A_298 = arith.cmpi sgt, %add3A_294, %sign3A_297 : i32
        %sign3A_299 = arith.extui %sign3A_298 : i1 to i32
        %sign3A_300 = arith.constant 0 : i32
        %sign3A_301 = arith.cmpi slt, %add3A_294, %sign3A_300 : i32
        %sign3A_302 = arith.extui %sign3A_301 : i1 to i32
        %sign3A_303 = arith.subi %sign3A_299, %sign3A_302 : i32
        %sign3A_304 = arith.constant 0 : i32
        %sign3A_305 = arith.cmpi sgt, %jit3A_295, %sign3A_304 : i32
        %sign3A_306 = arith.extui %sign3A_305 : i1 to i32
        %sign3A_307 = arith.constant 0 : i32
        %sign3A_308 = arith.cmpi slt, %jit3A_295, %sign3A_307 : i32
        %sign3A_309 = arith.extui %sign3A_308 : i1 to i32
        %sign3A_310 = arith.subi %sign3A_306, %sign3A_309 : i32
        %ne3A_311 = arith.cmpi ne, %sign3A_303, %sign3A_310 : i32
        %rem3A_312 = arith.remsi %add3A_294, %jit3A_295 : i32
        %ne3A_313 = arith.constant 0 : i32
        %ne3A_314 = arith.cmpi ne, %rem3A_312, %ne3A_313 : i32
        %and3A_315 = arith.andi %ne3A_311, %ne3A_314 : i1
        %sub3A_316 = arith.constant 1 : i32
        %sub3A_317 = arith.subi %div3A_296, %sub3A_316 : i32
        %select_n3A_318 = arith.select %and3A_315, %sub3A_317, %div3A_296 : i32
        %mul3A_319 = arith.constant 3 : i32
        %mul3A_320 = arith.muli %select_n3A_318, %mul3A_319 : i32
        %sub3A_321 = arith.subi %add3A_294, %mul3A_320 : i32
        %add3A_322 = arith.addi %mul3A_2, %select_n3A_318 : i32
        %mul3A_323 = arith.constant 512 : i32
        %mul3A_324 = arith.muli %add3A_322, %mul3A_323 : i32
        %mul3A_325 = arith.constant 64 : i32
        %mul3A_326 = arith.muli %sub3A_321, %mul3A_325 : i32
        %add3A_327 = arith.addi %mul3A_324, %mul3A_326 : i32
        %dma_start3A_328 = arith.constant 0 : i32
        %dma_start3A_329 = arith.constant 0 : i32
        %dma_start3A_330 = arith.constant 0 : i32
        %dma_start3A_331 = tpu.memref_slice %arg4[%dma_start3A_328, %dma_start3A_329, %dma_start3A_330] : memref<2x64x512xf32, #tpu.memory_space<vmem>> -> memref<1x64x512xf32, #tpu.memory_space<vmem>>
        %dma_start3A_332 = tpu.memref_squeeze %dma_start3A_331 : memref<1x64x512xf32, #tpu.memory_space<vmem>> -> memref<64x512xf32, #tpu.memory_space<vmem>>
        %dma_start3A_333 = arith.constant 0 : i32
        %dma_start3A_334 = tpu.memref_slice %arg2[%add3A_327, %dma_start3A_333] : memref<32768x512xf32, #tpu.memory_space<hbm>> -> memref<64x512xf32, #tpu.memory_space<hbm>>
        %dma_start3A_335 = arith.constant 0 : i32
        %dma_start3A_336 = arith.constant 0 : i32
        %dma_start3A_337 = tpu.memref_slice %arg4[%dma_start3A_328, %dma_start3A_335, %dma_start3A_336] : memref<2x64x512xf32, #tpu.memory_space<vmem>> -> memref<1x64x512xf32, #tpu.memory_space<vmem>>
        %dma_start3A_338 = tpu.memref_squeeze %dma_start3A_337 : memref<1x64x512xf32, #tpu.memory_space<vmem>> -> memref<64x512xf32, #tpu.memory_space<vmem>>
        %dma_start3A_339 = arith.constant 0 : i32
        %dma_start3A_340 = tpu.memref_slice %arg2[%add3A_327, %dma_start3A_339] : memref<32768x512xf32, #tpu.memory_space<hbm>> -> memref<64x512xf32, #tpu.memory_space<hbm>>
        tpu.enqueue_dma source(%dma_start3A_340 : memref<64x512xf32, #tpu.memory_space<hbm>>) target(%dma_start3A_338 : memref<64x512xf32, #tpu.memory_space<vmem>>) target_semaphore(%arg6 : memref<!tpu.dma_semaphore, #tpu.memory_space<semaphore_mem>>)
      } else {
      }
      %add3A_104 = arith.addf %scan3A_48, %add3A_98 : vector<16xf32>
      %add3A_105 = arith.addf %scan3A_49, %add3A_99 : vector<16xf32>
      %jit3A_106 = arith.constant 3 : i32
      %div3A_107 = arith.divsi %add3A_54, %jit3A_106 : i32
      %sign3A_108 = arith.constant 0 : i32
      %sign3A_109 = arith.cmpi sgt, %add3A_54, %sign3A_108 : i32
      %sign3A_110 = arith.extui %sign3A_109 : i1 to i32
      %sign3A_111 = arith.constant 0 : i32
      %sign3A_112 = arith.cmpi slt, %add3A_54, %sign3A_111 : i32
      %sign3A_113 = arith.extui %sign3A_112 : i1 to i32
      %sign3A_114 = arith.subi %sign3A_110, %sign3A_113 : i32
      %sign3A_115 = arith.constant 0 : i32
      %sign3A_116 = arith.cmpi sgt, %jit3A_106, %sign3A_115 : i32
      %sign3A_117 = arith.extui %sign3A_116 : i1 to i32
      %sign3A_118 = arith.constant 0 : i32
      %sign3A_119 = arith.cmpi slt, %jit3A_106, %sign3A_118 : i32
      %sign3A_120 = arith.extui %sign3A_119 : i1 to i32
      %sign3A_121 = arith.subi %sign3A_117, %sign3A_120 : i32
      %ne3A_122 = arith.cmpi ne, %sign3A_114, %sign3A_121 : i32
      %rem3A_123 = arith.remsi %add3A_54, %jit3A_106 : i32
      %ne3A_124 = arith.constant 0 : i32
      %ne3A_125 = arith.cmpi ne, %rem3A_123, %ne3A_124 : i32
      %and3A_126 = arith.andi %ne3A_122, %ne3A_125 : i1
      %sub3A_127 = arith.constant 1 : i32
      %sub3A_128 = arith.subi %div3A_107, %sub3A_127 : i32
      %select_n3A_129 = arith.select %and3A_126, %sub3A_128, %div3A_107 : i32
      %mul3A_130 = arith.constant 3 : i32
      %mul3A_131 = arith.muli %select_n3A_129, %mul3A_130 : i32
      %sub3A_132 = arith.subi %add3A_54, %mul3A_131 : i32
      %eq3A = arith.constant 2 : i32
      %eq3A_133 = arith.cmpi eq, %sub3A_132, %eq3A : i32
      %mul3A_134 = arith.constant 8 : i32
      %mul3A_135 = arith.muli %select_n3A_129, %mul3A_134 : i32
      %eq3A_136 = vector.broadcast %mul3A_135 : i32 to vector<16xi32>
      %eq3A_137 = arith.cmpi eq, %iota3A, %eq3A_136 : vector<16xi32>
      %and3A_138 = vector.broadcast %eq3A_133 : i1 to vector<16xi1>
      %and3A_139 = arith.andi %and3A_138, %eq3A_137 : vector<16xi1>
      %reduce_sum3A = arith.constant true
      %reduce_sum3A_140 = vector.broadcast %reduce_sum3A : i1 to vector<16xi1>
      %reduce_sum3A_141 = tpu.scan <sum>, %add3A_104 masked %reduce_sum3A_140 : vector<16xf32>, vector<16xi1> -> vector<16xf32>
      %reduce_sum3A_142 = vector.extract %reduce_sum3A_141[15] : f32 from vector<16xf32>
      %broadcast_in_dim3A_143 = vector.broadcast %reduce_sum3A_142 : f32 to vector<16xf32>
      %select_n3A_144 = arith.select %and3A_139, %broadcast_in_dim3A_143, %scan3A_50 : vector<16xi1>, vector<16xf32>
      %mul3A_145 = arith.constant 8 : i32
      %mul3A_146 = arith.muli %select_n3A_129, %mul3A_145 : i32
      %add3A_147 = arith.constant 3 : i32
      %add3A_148 = arith.addi %mul3A_146, %add3A_147 : i32
      %eq3A_149 = vector.broadcast %add3A_148 : i32 to vector<16xi32>
      %eq3A_150 = arith.cmpi eq, %iota3A, %eq3A_149 : vector<16xi32>
      %and3A_151 = vector.broadcast %eq3A_133 : i1 to vector<16xi1>
      %and3A_152 = arith.andi %and3A_151, %eq3A_150 : vector<16xi1>
      %reduce_sum3A_153 = arith.constant true
      %reduce_sum3A_154 = vector.broadcast %reduce_sum3A_153 : i1 to vector<16xi1>
      %reduce_sum3A_155 = tpu.scan <sum>, %add3A_105 masked %reduce_sum3A_154 : vector<16xf32>, vector<16xi1> -> vector<16xf32>
      %reduce_sum3A_156 = vector.extract %reduce_sum3A_155[15] : f32 from vector<16xf32>
      %broadcast_in_dim3A_157 = vector.broadcast %reduce_sum3A_156 : f32 to vector<16xf32>
      %select_n3A_158 = arith.select %and3A_152, %broadcast_in_dim3A_157, %select_n3A_144 : vector<16xi1>, vector<16xf32>
      %jit3A_159 = arith.constant 0.000000e+00 : f32
      %broadcast_in_dim3A_160 = vector.broadcast %jit3A_159 : f32 to vector<16xf32>
      %select_n3A_161 = arith.select %eq3A_133, %broadcast_in_dim3A_160, %add3A_104 : vector<16xf32>
      %jit3A_162 = arith.constant 0.000000e+00 : f32
      %broadcast_in_dim3A_163 = vector.broadcast %jit3A_162 : f32 to vector<16xf32>
      %select_n3A_164 = arith.select %eq3A_133, %broadcast_in_dim3A_163, %add3A_105 : vector<16xf32>
      %mul3A_165 = arith.constant 2 : i32
      %mul3A_166 = arith.muli %mul3A_165, %scan3A_47 : i32
      %add3A_167 = arith.constant 1 : i32
      %add3A_168 = arith.addi %mul3A_166, %add3A_167 : i32
      %jit3A_169 = arith.constant 3 : i32
      %div3A_170 = arith.divsi %add3A_168, %jit3A_169 : i32
      %sign3A_171 = arith.constant 0 : i32
      %sign3A_172 = arith.cmpi sgt, %add3A_168, %sign3A_171 : i32
      %sign3A_173 = arith.extui %sign3A_172 : i1 to i32
      %sign3A_174 = arith.constant 0 : i32
      %sign3A_175 = arith.cmpi slt, %add3A_168, %sign3A_174 : i32
      %sign3A_176 = arith.extui %sign3A_175 : i1 to i32
      %sign3A_177 = arith.subi %sign3A_173, %sign3A_176 : i32
      %sign3A_178 = arith.constant 0 : i32
      %sign3A_179 = arith.cmpi sgt, %jit3A_169, %sign3A_178 : i32
      %sign3A_180 = arith.extui %sign3A_179 : i1 to i32
      %sign3A_181 = arith.constant 0 : i32
      %sign3A_182 = arith.cmpi slt, %jit3A_169, %sign3A_181 : i32
      %sign3A_183 = arith.extui %sign3A_182 : i1 to i32
      %sign3A_184 = arith.subi %sign3A_180, %sign3A_183 : i32
      %ne3A_185 = arith.cmpi ne, %sign3A_177, %sign3A_184 : i32
      %rem3A_186 = arith.remsi %add3A_168, %jit3A_169 : i32
      %ne3A_187 = arith.constant 0 : i32
      %ne3A_188 = arith.cmpi ne, %rem3A_186, %ne3A_187 : i32
      %and3A_189 = arith.andi %ne3A_185, %ne3A_188 : i1
      %sub3A_190 = arith.constant 1 : i32
      %sub3A_191 = arith.subi %div3A_170, %sub3A_190 : i32
      %select_n3A_192 = arith.select %and3A_189, %sub3A_191, %div3A_170 : i32
      %mul3A_193 = arith.constant 3 : i32
      %mul3A_194 = arith.muli %select_n3A_192, %mul3A_193 : i32
      %sub3A_195 = arith.subi %add3A_168, %mul3A_194 : i32
      %add3A_196 = arith.addi %mul3A_2, %select_n3A_192 : i32
      %mul3A_197 = arith.constant 512 : i32
      %mul3A_198 = arith.muli %add3A_196, %mul3A_197 : i32
      %mul3A_199 = arith.constant 64 : i32
      %mul3A_200 = arith.muli %sub3A_195, %mul3A_199 : i32
      %add3A_201 = arith.addi %mul3A_198, %mul3A_200 : i32
      %dma_wait3A_202 = arith.constant 1 : i32
      %dma_wait3A_203 = arith.constant 0 : i32
      %dma_wait3A_204 = arith.constant 0 : i32
      %dma_wait3A_205 = tpu.memref_slice %arg4[%dma_wait3A_202, %dma_wait3A_203, %dma_wait3A_204] : memref<2x64x512xf32, #tpu.memory_space<vmem>> -> memref<1x64x512xf32, #tpu.memory_space<vmem>>
      %dma_wait3A_206 = tpu.memref_squeeze %dma_wait3A_205 : memref<1x64x512xf32, #tpu.memory_space<vmem>> -> memref<64x512xf32, #tpu.memory_space<vmem>>
      %dma_wait3A_207 = arith.constant 0 : i32
      %dma_wait3A_208 = tpu.memref_slice %arg2[%add3A_201, %dma_wait3A_207] : memref<32768x512xf32, #tpu.memory_space<hbm>> -> memref<64x512xf32, #tpu.memory_space<hbm>>
      %dma_wait3A_209 = arith.constant 0 : i32
      %dma_wait3A_210 = arith.constant 0 : i32
      %dma_wait3A_211 = tpu.memref_slice %arg4[%dma_wait3A_202, %dma_wait3A_209, %dma_wait3A_210] : memref<2x64x512xf32, #tpu.memory_space<vmem>> -> memref<1x64x512xf32, #tpu.memory_space<vmem>>
      %dma_wait3A_212 = tpu.memref_squeeze %dma_wait3A_211 : memref<1x64x512xf32, #tpu.memory_space<vmem>> -> memref<64x512xf32, #tpu.memory_space<vmem>>
      %dma_wait3A_213 = arith.constant 0 : i32
      %dma_wait3A_214 = tpu.memref_slice %arg2[%add3A_201, %dma_wait3A_213] : memref<32768x512xf32, #tpu.memory_space<hbm>> -> memref<64x512xf32, #tpu.memory_space<hbm>>
      tpu.wait_dma2 semaphore(%arg7 : memref<!tpu.dma_semaphore, #tpu.memory_space<semaphore_mem>>) src(%dma_wait3A_214 : memref<64x512xf32, #tpu.memory_space<hbm>>) dst(%dma_wait3A_212 : memref<64x512xf32, #tpu.memory_space<vmem>>)
      %scan3A_215 = arith.constant 0 : i32
      %scan3A_216 = arith.constant 64 : i32
      %scan3A_217 = arith.addi %scan3A_215, %scan3A_216 : i32
      %scan3A_218 = arith.constant 1 : i32
      %scan3A_219:4 = scf.for %scan3A_293 = %scan3A_215 to %scan3A_217 step %scan3A_218 iter_args(%scan3A_294 = %broadcast_in_dim3A_3, %scan3A_295 = %broadcast_in_dim3A_3, %scan3A_296 = %broadcast_in_dim3A_3, %scan3A_297 = %broadcast_in_dim3A_3) -> (vector<16xf32>, vector<16xf32>, vector<16xf32>, vector<16xf32>)  : i32 {
        %get3A = arith.constant 1 : i32
        %get3A_298 = arith.index_cast %get3A : i32 to index
        %get3A_299 = arith.index_cast %scan3A_293 : i32 to index
        %get3A_300 = arith.constant 0 : index
        %get3A_301 = tpu.vector_load %arg4[%get3A_298, %get3A_299, %get3A_300] {strides = array<i32>} : memref<2x64x512xf32, #tpu.memory_space<vmem>>, vector<16xf32>,
        %add3A_302 = arith.addf %scan3A_294, %get3A_301 : vector<16xf32>
        %get3A_303 = arith.constant 1 : i32
        %get3A_304 = arith.index_cast %get3A_303 : i32 to index
        %get3A_305 = arith.index_cast %scan3A_293 : i32 to index
        %get3A_306 = arith.constant 16 : index
        %get3A_307 = tpu.vector_load %arg4[%get3A_304, %get3A_305, %get3A_306] {strides = array<i32>} : memref<2x64x512xf32, #tpu.memory_space<vmem>>, vector<16xf32>,
        %add3A_308 = arith.addf %scan3A_295, %get3A_307 : vector<16xf32>
        %get3A_309 = arith.constant 1 : i32
        %get3A_310 = arith.index_cast %get3A_309 : i32 to index
        %get3A_311 = arith.index_cast %scan3A_293 : i32 to index
        %get3A_312 = arith.constant 256 : index
        %get3A_313 = tpu.vector_load %arg4[%get3A_310, %get3A_311, %get3A_312] {strides = array<i32>} : memref<2x64x512xf32, #tpu.memory_space<vmem>>, vector<16xf32>,
        %add3A_314 = arith.addf %scan3A_296, %get3A_313 : vector<16xf32>
        %get3A_315 = arith.constant 1 : i32
        %get3A_316 = arith.index_cast %get3A_315 : i32 to index
        %get3A_317 = arith.index_cast %scan3A_293 : i32 to index
        %get3A_318 = arith.constant 272 : index
        %get3A_319 = tpu.vector_load %arg4[%get3A_316, %get3A_317, %get3A_318] {strides = array<i32>} : memref<2x64x512xf32, #tpu.memory_space<vmem>>, vector<16xf32>,
        %add3A_320 = arith.addf %scan3A_297, %get3A_319 : vector<16xf32>
        %get3A_321 = arith.constant 1 : i32
        %get3A_322 = arith.index_cast %get3A_321 : i32 to index
        %get3A_323 = arith.index_cast %scan3A_293 : i32 to index
        %get3A_324 = arith.constant 32 : index
        %get3A_325 = tpu.vector_load %arg4[%get3A_322, %get3A_323, %get3A_324] {strides = array<i32>} : memref<2x64x512xf32, #tpu.memory_space<vmem>>, vector<16xf32>,
        %add3A_326 = arith.addf %add3A_302, %get3A_325 : vector<16xf32>
        %get3A_327 = arith.constant 1 : i32
        %get3A_328 = arith.index_cast %get3A_327 : i32 to index
        %get3A_329 = arith.index_cast %scan3A_293 : i32 to index
        %get3A_330 = arith.constant 48 : index
        %get3A_331 = tpu.vector_load %arg4[%get3A_328, %get3A_329, %get3A_330] {strides = array<i32>} : memref<2x64x512xf32, #tpu.memory_space<vmem>>, vector<16xf32>,
        %add3A_332 = arith.addf %add3A_308, %get3A_331 : vector<16xf32>
        %get3A_333 = arith.constant 1 : i32
        %get3A_334 = arith.index_cast %get3A_333 : i32 to index
        %get3A_335 = arith.index_cast %scan3A_293 : i32 to index
        %get3A_336 = arith.constant 288 : index
        %get3A_337 = tpu.vector_load %arg4[%get3A_334, %get3A_335, %get3A_336] {strides = array<i32>} : memref<2x64x512xf32, #tpu.memory_space<vmem>>, vector<16xf32>,
        %add3A_338 = arith.addf %add3A_314, %get3A_337 : vector<16xf32>
        %get3A_339 = arith.constant 1 : i32
        %get3A_340 = arith.index_cast %get3A_339 : i32 to index
        %get3A_341 = arith.index_cast %scan3A_293 : i32 to index
        %get3A_342 = arith.constant 304 : index
        %get3A_343 = tpu.vector_load %arg4[%get3A_340, %get3A_341, %get3A_342] {strides = array<i32>} : memref<2x64x512xf32, #tpu.memory_space<vmem>>, vector<16xf32>,
        %add3A_344 = arith.addf %add3A_320, %get3A_343 : vector<16xf32>
        %get3A_345 = arith.constant 1 : i32
        %get3A_346 = arith.index_cast %get3A_345 : i32 to index
        %get3A_347 = arith.index_cast %scan3A_293 : i32 to index
        %get3A_348 = arith.constant 64 : index
        %get3A_349 = tpu.vector_load %arg4[%get3A_346, %get3A_347, %get3A_348] {strides = array<i32>} : memref<2x64x512xf32, #tpu.memory_space<vmem>>, vector<16xf32>,
        %add3A_350 = arith.addf %add3A_326, %get3A_349 : vector<16xf32>
        %get3A_351 = arith.constant 1 : i32
        %get3A_352 = arith.index_cast %get3A_351 : i32 to index
        %get3A_353 = arith.index_cast %scan3A_293 : i32 to index
        %get3A_354 = arith.constant 80 : index
        %get3A_355 = tpu.vector_load %arg4[%get3A_352, %get3A_353, %get3A_354] {strides = array<i32>} : memref<2x64x512xf32, #tpu.memory_space<vmem>>, vector<16xf32>,
        %add3A_356 = arith.addf %add3A_332, %get3A_355 : vector<16xf32>
        %get3A_357 = arith.constant 1 : i32
        %get3A_358 = arith.index_cast %get3A_357 : i32 to index
        %get3A_359 = arith.index_cast %scan3A_293 : i32 to index
        %get3A_360 = arith.constant 320 : index
        %get3A_361 = tpu.vector_load %arg4[%get3A_358, %get3A_359, %get3A_360] {strides = array<i32>} : memref<2x64x512xf32, #tpu.memory_space<vmem>>, vector<16xf32>,
        %add3A_362 = arith.addf %add3A_338, %get3A_361 : vector<16xf32>
        %get3A_363 = arith.constant 1 : i32
        %get3A_364 = arith.index_cast %get3A_363 : i32 to index
        %get3A_365 = arith.index_cast %scan3A_293 : i32 to index
        %get3A_366 = arith.constant 336 : index
        %get3A_367 = tpu.vector_load %arg4[%get3A_364, %get3A_365, %get3A_366] {strides = array<i32>} : memref<2x64x512xf32, #tpu.memory_space<vmem>>, vector<16xf32>,
        %add3A_368 = arith.addf %add3A_344, %get3A_367 : vector<16xf32>
        %get3A_369 = arith.constant 1 : i32
        %get3A_370 = arith.index_cast %get3A_369 : i32 to index
        %get3A_371 = arith.index_cast %scan3A_293 : i32 to index
        %get3A_372 = arith.constant 96 : index
        %get3A_373 = tpu.vector_load %arg4[%get3A_370, %get3A_371, %get3A_372] {strides = array<i32>} : memref<2x64x512xf32, #tpu.memory_space<vmem>>, vector<16xf32>,
        %add3A_374 = arith.addf %add3A_350, %get3A_373 : vector<16xf32>
        %get3A_375 = arith.constant 1 : i32
        %get3A_376 = arith.index_cast %get3A_375 : i32 to index
        %get3A_377 = arith.index_cast %scan3A_293 : i32 to index
        %get3A_378 = arith.constant 112 : index
        %get3A_379 = tpu.vector_load %arg4[%get3A_376, %get3A_377, %get3A_378] {strides = array<i32>} : memref<2x64x512xf32, #tpu.memory_space<vmem>>, vector<16xf32>,
        %add3A_380 = arith.addf %add3A_356, %get3A_379 : vector<16xf32>
        %get3A_381 = arith.constant 1 : i32
        %get3A_382 = arith.index_cast %get3A_381 : i32 to index
        %get3A_383 = arith.index_cast %scan3A_293 : i32 to index
        %get3A_384 = arith.constant 352 : index
        %get3A_385 = tpu.vector_load %arg4[%get3A_382, %get3A_383, %get3A_384] {strides = array<i32>} : memref<2x64x512xf32, #tpu.memory_space<vmem>>, vector<16xf32>,
        %add3A_386 = arith.addf %add3A_362, %get3A_385 : vector<16xf32>
        %get3A_387 = arith.constant 1 : i32
        %get3A_388 = arith.index_cast %get3A_387 : i32 to index
        %get3A_389 = arith.index_cast %scan3A_293 : i32 to index
        %get3A_390 = arith.constant 368 : index
        %get3A_391 = tpu.vector_load %arg4[%get3A_388, %get3A_389, %get3A_390] {strides = array<i32>} : memref<2x64x512xf32, #tpu.memory_space<vmem>>, vector<16xf32>,
        %add3A_392 = arith.addf %add3A_368, %get3A_391 : vector<16xf32>
        %get3A_393 = arith.constant 1 : i32
        %get3A_394 = arith.index_cast %get3A_393 : i32 to index
        %get3A_395 = arith.index_cast %scan3A_293 : i32 to index
        %get3A_396 = arith.constant 128 : index
        %get3A_397 = tpu.vector_load %arg4[%get3A_394, %get3A_395, %get3A_396] {strides = array<i32>} : memref<2x64x512xf32, #tpu.memory_space<vmem>>, vector<16xf32>,
        %add3A_398 = arith.addf %add3A_374, %get3A_397 : vector<16xf32>
        %get3A_399 = arith.constant 1 : i32
        %get3A_400 = arith.index_cast %get3A_399 : i32 to index
        %get3A_401 = arith.index_cast %scan3A_293 : i32 to index
        %get3A_402 = arith.constant 144 : index
        %get3A_403 = tpu.vector_load %arg4[%get3A_400, %get3A_401, %get3A_402] {strides = array<i32>} : memref<2x64x512xf32, #tpu.memory_space<vmem>>, vector<16xf32>,
        %add3A_404 = arith.addf %add3A_380, %get3A_403 : vector<16xf32>
        %get3A_405 = arith.constant 1 : i32
        %get3A_406 = arith.index_cast %get3A_405 : i32 to index
        %get3A_407 = arith.index_cast %scan3A_293 : i32 to index
        %get3A_408 = arith.constant 384 : index
        %get3A_409 = tpu.vector_load %arg4[%get3A_406, %get3A_407, %get3A_408] {strides = array<i32>} : memref<2x64x512xf32, #tpu.memory_space<vmem>>, vector<16xf32>,
        %add3A_410 = arith.addf %add3A_386, %get3A_409 : vector<16xf32>
        %get3A_411 = arith.constant 1 : i32
        %get3A_412 = arith.index_cast %get3A_411 : i32 to index
        %get3A_413 = arith.index_cast %scan3A_293 : i32 to index
        %get3A_414 = arith.constant 400 : index
        %get3A_415 = tpu.vector_load %arg4[%get3A_412, %get3A_413, %get3A_414] {strides = array<i32>} : memref<2x64x512xf32, #tpu.memory_space<vmem>>, vector<16xf32>,
        %add3A_416 = arith.addf %add3A_392, %get3A_415 : vector<16xf32>
        %get3A_417 = arith.constant 1 : i32
        %get3A_418 = arith.index_cast %get3A_417 : i32 to index
        %get3A_419 = arith.index_cast %scan3A_293 : i32 to index
        %get3A_420 = arith.constant 160 : index
        %get3A_421 = tpu.vector_load %arg4[%get3A_418, %get3A_419, %get3A_420] {strides = array<i32>} : memref<2x64x512xf32, #tpu.memory_space<vmem>>, vector<16xf32>,
        %add3A_422 = arith.addf %add3A_398, %get3A_421 : vector<16xf32>
        %get3A_423 = arith.constant 1 : i32
        %get3A_424 = arith.index_cast %get3A_423 : i32 to index
        %get3A_425 = arith.index_cast %scan3A_293 : i32 to index
        %get3A_426 = arith.constant 176 : index
        %get3A_427 = tpu.vector_load %arg4[%get3A_424, %get3A_425, %get3A_426] {strides = array<i32>} : memref<2x64x512xf32, #tpu.memory_space<vmem>>, vector<16xf32>,
        %add3A_428 = arith.addf %add3A_404, %get3A_427 : vector<16xf32>
        %get3A_429 = arith.constant 1 : i32
        %get3A_430 = arith.index_cast %get3A_429 : i32 to index
        %get3A_431 = arith.index_cast %scan3A_293 : i32 to index
        %get3A_432 = arith.constant 416 : index
        %get3A_433 = tpu.vector_load %arg4[%get3A_430, %get3A_431, %get3A_432] {strides = array<i32>} : memref<2x64x512xf32, #tpu.memory_space<vmem>>, vector<16xf32>,
        %add3A_434 = arith.addf %add3A_410, %get3A_433 : vector<16xf32>
        %get3A_435 = arith.constant 1 : i32
        %get3A_436 = arith.index_cast %get3A_435 : i32 to index
        %get3A_437 = arith.index_cast %scan3A_293 : i32 to index
        %get3A_438 = arith.constant 432 : index
        %get3A_439 = tpu.vector_load %arg4[%get3A_436, %get3A_437, %get3A_438] {strides = array<i32>} : memref<2x64x512xf32, #tpu.memory_space<vmem>>, vector<16xf32>,
        %add3A_440 = arith.addf %add3A_416, %get3A_439 : vector<16xf32>
        %get3A_441 = arith.constant 1 : i32
        %get3A_442 = arith.index_cast %get3A_441 : i32 to index
        %get3A_443 = arith.index_cast %scan3A_293 : i32 to index
        %get3A_444 = arith.constant 192 : index
        %get3A_445 = tpu.vector_load %arg4[%get3A_442, %get3A_443, %get3A_444] {strides = array<i32>} : memref<2x64x512xf32, #tpu.memory_space<vmem>>, vector<16xf32>,
        %add3A_446 = arith.addf %add3A_422, %get3A_445 : vector<16xf32>
        %get3A_447 = arith.constant 1 : i32
        %get3A_448 = arith.index_cast %get3A_447 : i32 to index
        %get3A_449 = arith.index_cast %scan3A_293 : i32 to index
        %get3A_450 = arith.constant 208 : index
        %get3A_451 = tpu.vector_load %arg4[%get3A_448, %get3A_449, %get3A_450] {strides = array<i32>} : memref<2x64x512xf32, #tpu.memory_space<vmem>>, vector<16xf32>,
        %add3A_452 = arith.addf %add3A_428, %get3A_451 : vector<16xf32>
        %get3A_453 = arith.constant 1 : i32
        %get3A_454 = arith.index_cast %get3A_453 : i32 to index
        %get3A_455 = arith.index_cast %scan3A_293 : i32 to index
        %get3A_456 = arith.constant 448 : index
        %get3A_457 = tpu.vector_load %arg4[%get3A_454, %get3A_455, %get3A_456] {strides = array<i32>} : memref<2x64x512xf32, #tpu.memory_space<vmem>>, vector<16xf32>,
        %add3A_458 = arith.addf %add3A_434, %get3A_457 : vector<16xf32>
        %get3A_459 = arith.constant 1 : i32
        %get3A_460 = arith.index_cast %get3A_459 : i32 to index
        %get3A_461 = arith.index_cast %scan3A_293 : i32 to index
        %get3A_462 = arith.constant 464 : index
        %get3A_463 = tpu.vector_load %arg4[%get3A_460, %get3A_461, %get3A_462] {strides = array<i32>} : memref<2x64x512xf32, #tpu.memory_space<vmem>>, vector<16xf32>,
        %add3A_464 = arith.addf %add3A_440, %get3A_463 : vector<16xf32>
        %get3A_465 = arith.constant 1 : i32
        %get3A_466 = arith.index_cast %get3A_465 : i32 to index
        %get3A_467 = arith.index_cast %scan3A_293 : i32 to index
        %get3A_468 = arith.constant 224 : index
        %get3A_469 = tpu.vector_load %arg4[%get3A_466, %get3A_467, %get3A_468] {strides = array<i32>} : memref<2x64x512xf32, #tpu.memory_space<vmem>>, vector<16xf32>,
        %add3A_470 = arith.addf %add3A_446, %get3A_469 : vector<16xf32>
        %get3A_471 = arith.constant 1 : i32
        %get3A_472 = arith.index_cast %get3A_471 : i32 to index
        %get3A_473 = arith.index_cast %scan3A_293 : i32 to index
        %get3A_474 = arith.constant 240 : index
        %get3A_475 = tpu.vector_load %arg4[%get3A_472, %get3A_473, %get3A_474] {strides = array<i32>} : memref<2x64x512xf32, #tpu.memory_space<vmem>>, vector<16xf32>,
        %add3A_476 = arith.addf %add3A_452, %get3A_475 : vector<16xf32>
        %get3A_477 = arith.constant 1 : i32
        %get3A_478 = arith.index_cast %get3A_477 : i32 to index
        %get3A_479 = arith.index_cast %scan3A_293 : i32 to index
        %get3A_480 = arith.constant 480 : index
        %get3A_481 = tpu.vector_load %arg4[%get3A_478, %get3A_479, %get3A_480] {strides = array<i32>} : memref<2x64x512xf32, #tpu.memory_space<vmem>>, vector<16xf32>,
        %add3A_482 = arith.addf %add3A_458, %get3A_481 : vector<16xf32>
        %get3A_483 = arith.constant 1 : i32
        %get3A_484 = arith.index_cast %get3A_483 : i32 to index
        %get3A_485 = arith.index_cast %scan3A_293 : i32 to index
        %get3A_486 = arith.constant 496 : index
        %get3A_487 = tpu.vector_load %arg4[%get3A_484, %get3A_485, %get3A_486] {strides = array<i32>} : memref<2x64x512xf32, #tpu.memory_space<vmem>>, vector<16xf32>,
        %add3A_488 = arith.addf %add3A_464, %get3A_487 : vector<16xf32>
        scf.yield %add3A_470, %add3A_476, %add3A_482, %add3A_488 : vector<16xf32>, vector<16xf32>, vector<16xf32>, vector<16xf32>
      }
      %scan3A_220 = arith.constant 64 : i32
      %add3A_221 = arith.addf %scan3A_219#0, %scan3A_219#1 : vector<16xf32>
      %add3A_222 = arith.addf %scan3A_219#2, %scan3A_219#3 : vector<16xf32>
      %add3A_223 = arith.constant 2 : i32
      %add3A_224 = arith.addi %add3A_168, %add3A_223 : i32
      %lt3A_225 = arith.constant 6 : i32
      %lt3A_226 = arith.cmpi slt, %add3A_224, %lt3A_225 : i32
      %convert_element_type3A_227 = arith.extui %lt3A_226 : i1 to i32
      %cond3A_228 = arith.constant 0 : i32
      %cond3A_229 = arith.cmpi ne, %convert_element_type3A_227, %cond3A_228 : i32
      scf.if %cond3A_229 {
        %add3A_293 = arith.constant 2 : i32
        %add3A_294 = arith.addi %add3A_168, %add3A_293 : i32
        %jit3A_295 = arith.constant 3 : i32
        %div3A_296 = arith.divsi %add3A_294, %jit3A_295 : i32
        %sign3A_297 = arith.constant 0 : i32
        %sign3A_298 = arith.cmpi sgt, %add3A_294, %sign3A_297 : i32
        %sign3A_299 = arith.extui %sign3A_298 : i1 to i32
        %sign3A_300 = arith.constant 0 : i32
        %sign3A_301 = arith.cmpi slt, %add3A_294, %sign3A_300 : i32
        %sign3A_302 = arith.extui %sign3A_301 : i1 to i32
        %sign3A_303 = arith.subi %sign3A_299, %sign3A_302 : i32
        %sign3A_304 = arith.constant 0 : i32
        %sign3A_305 = arith.cmpi sgt, %jit3A_295, %sign3A_304 : i32
        %sign3A_306 = arith.extui %sign3A_305 : i1 to i32
        %sign3A_307 = arith.constant 0 : i32
        %sign3A_308 = arith.cmpi slt, %jit3A_295, %sign3A_307 : i32
        %sign3A_309 = arith.extui %sign3A_308 : i1 to i32
        %sign3A_310 = arith.subi %sign3A_306, %sign3A_309 : i32
        %ne3A_311 = arith.cmpi ne, %sign3A_303, %sign3A_310 : i32
        %rem3A_312 = arith.remsi %add3A_294, %jit3A_295 : i32
        %ne3A_313 = arith.constant 0 : i32
        %ne3A_314 = arith.cmpi ne, %rem3A_312, %ne3A_313 : i32
        %and3A_315 = arith.andi %ne3A_311, %ne3A_314 : i1
        %sub3A_316 = arith.constant 1 : i32
        %sub3A_317 = arith.subi %div3A_296, %sub3A_316 : i32
        %select_n3A_318 = arith.select %and3A_315, %sub3A_317, %div3A_296 : i32
        %mul3A_319 = arith.constant 3 : i32
        %mul3A_320 = arith.muli %select_n3A_318, %mul3A_319 : i32
        %sub3A_321 = arith.subi %add3A_294, %mul3A_320 : i32
        %add3A_322 = arith.addi %mul3A_2, %select_n3A_318 : i32
        %mul3A_323 = arith.constant 512 : i32
        %mul3A_324 = arith.muli %add3A_322, %mul3A_323 : i32
        %mul3A_325 = arith.constant 64 : i32
        %mul3A_326 = arith.muli %sub3A_321, %mul3A_325 : i32
        %add3A_327 = arith.addi %mul3A_324, %mul3A_326 : i32
        %dma_start3A_328 = arith.constant 1 : i32
        %dma_start3A_329 = arith.constant 0 : i32
        %dma_start3A_330 = arith.constant 0 : i32
        %dma_start3A_331 = tpu.memref_slice %arg4[%dma_start3A_328, %dma_start3A_329, %dma_start3A_330] : memref<2x64x512xf32, #tpu.memory_space<vmem>> -> memref<1x64x512xf32, #tpu.memory_space<vmem>>
        %dma_start3A_332 = tpu.memref_squeeze %dma_start3A_331 : memref<1x64x512xf32, #tpu.memory_space<vmem>> -> memref<64x512xf32, #tpu.memory_space<vmem>>
        %dma_start3A_333 = arith.constant 0 : i32
        %dma_start3A_334 = tpu.memref_slice %arg2[%add3A_327, %dma_start3A_333] : memref<32768x512xf32, #tpu.memory_space<hbm>> -> memref<64x512xf32, #tpu.memory_space<hbm>>
        %dma_start3A_335 = arith.constant 0 : i32
        %dma_start3A_336 = arith.constant 0 : i32
        %dma_start3A_337 = tpu.memref_slice %arg4[%dma_start3A_328, %dma_start3A_335, %dma_start3A_336] : memref<2x64x512xf32, #tpu.memory_space<vmem>> -> memref<1x64x512xf32, #tpu.memory_space<vmem>>
        %dma_start3A_338 = tpu.memref_squeeze %dma_start3A_337 : memref<1x64x512xf32, #tpu.memory_space<vmem>> -> memref<64x512xf32, #tpu.memory_space<vmem>>
        %dma_start3A_339 = arith.constant 0 : i32
        %dma_start3A_340 = tpu.memref_slice %arg2[%add3A_327, %dma_start3A_339] : memref<32768x512xf32, #tpu.memory_space<hbm>> -> memref<64x512xf32, #tpu.memory_space<hbm>>
        tpu.enqueue_dma source(%dma_start3A_340 : memref<64x512xf32, #tpu.memory_space<hbm>>) target(%dma_start3A_338 : memref<64x512xf32, #tpu.memory_space<vmem>>) target_semaphore(%arg7 : memref<!tpu.dma_semaphore, #tpu.memory_space<semaphore_mem>>)
      } else {
      }
      %add3A_230 = arith.addf %select_n3A_161, %add3A_221 : vector<16xf32>
      %add3A_231 = arith.addf %select_n3A_164, %add3A_222 : vector<16xf32>
      %jit3A_232 = arith.constant 3 : i32
      %div3A_233 = arith.divsi %add3A_168, %jit3A_232 : i32
      %sign3A_234 = arith.constant 0 : i32
      %sign3A_235 = arith.cmpi sgt, %add3A_168, %sign3A_234 : i32
      %sign3A_236 = arith.extui %sign3A_235 : i1 to i32
      %sign3A_237 = arith.constant 0 : i32
      %sign3A_238 = arith.cmpi slt, %add3A_168, %sign3A_237 : i32
      %sign3A_239 = arith.extui %sign3A_238 : i1 to i32
      %sign3A_240 = arith.subi %sign3A_236, %sign3A_239 : i32
      %sign3A_241 = arith.constant 0 : i32
      %sign3A_242 = arith.cmpi sgt, %jit3A_232, %sign3A_241 : i32
      %sign3A_243 = arith.extui %sign3A_242 : i1 to i32
      %sign3A_244 = arith.constant 0 : i32
      %sign3A_245 = arith.cmpi slt, %jit3A_232, %sign3A_244 : i32
      %sign3A_246 = arith.extui %sign3A_245 : i1 to i32
      %sign3A_247 = arith.subi %sign3A_243, %sign3A_246 : i32
      %ne3A_248 = arith.cmpi ne, %sign3A_240, %sign3A_247 : i32
      %rem3A_249 = arith.remsi %add3A_168, %jit3A_232 : i32
      %ne3A_250 = arith.constant 0 : i32
      %ne3A_251 = arith.cmpi ne, %rem3A_249, %ne3A_250 : i32
      %and3A_252 = arith.andi %ne3A_248, %ne3A_251 : i1
      %sub3A_253 = arith.constant 1 : i32
      %sub3A_254 = arith.subi %div3A_233, %sub3A_253 : i32
      %select_n3A_255 = arith.select %and3A_252, %sub3A_254, %div3A_233 : i32
      %mul3A_256 = arith.constant 3 : i32
      %mul3A_257 = arith.muli %select_n3A_255, %mul3A_256 : i32
      %sub3A_258 = arith.subi %add3A_168, %mul3A_257 : i32
      %eq3A_259 = arith.constant 2 : i32
      %eq3A_260 = arith.cmpi eq, %sub3A_258, %eq3A_259 : i32
      %mul3A_261 = arith.constant 8 : i32
      %mul3A_262 = arith.muli %select_n3A_255, %mul3A_261 : i32
      %eq3A_263 = vector.broadcast %mul3A_262 : i32 to vector<16xi32>
      %eq3A_264 = arith.cmpi eq, %iota3A, %eq3A_263 : vector<16xi32>
      %and3A_265 = vector.broadcast %eq3A_260 : i1 to vector<16xi1>
      %and3A_266 = arith.andi %and3A_265, %eq3A_264 : vector<16xi1>
      %reduce_sum3A_267 = arith.constant true
      %reduce_sum3A_268 = vector.broadcast %reduce_sum3A_267 : i1 to vector<16xi1>
      %reduce_sum3A_269 = tpu.scan <sum>, %add3A_230 masked %reduce_sum3A_268 : vector<16xf32>, vector<16xi1> -> vector<16xf32>
      %reduce_sum3A_270 = vector.extract %reduce_sum3A_269[15] : f32 from vector<16xf32>
      %broadcast_in_dim3A_271 = vector.broadcast %reduce_sum3A_270 : f32 to vector<16xf32>
      %select_n3A_272 = arith.select %and3A_266, %broadcast_in_dim3A_271, %select_n3A_158 : vector<16xi1>, vector<16xf32>
      %mul3A_273 = arith.constant 8 : i32
      %mul3A_274 = arith.muli %select_n3A_255, %mul3A_273 : i32
      %add3A_275 = arith.constant 3 : i32
      %add3A_276 = arith.addi %mul3A_274, %add3A_275 : i32
      %eq3A_277 = vector.broadcast %add3A_276 : i32 to vector<16xi32>
      %eq3A_278 = arith.cmpi eq, %iota3A, %eq3A_277 : vector<16xi32>
      %and3A_279 = vector.broadcast %eq3A_260 : i1 to vector<16xi1>
      %and3A_280 = arith.andi %and3A_279, %eq3A_278 : vector<16xi1>
      %reduce_sum3A_281 = arith.constant true
      %reduce_sum3A_282 = vector.broadcast %reduce_sum3A_281 : i1 to vector<16xi1>
      %reduce_sum3A_283 = tpu.scan <sum>, %add3A_231 masked %reduce_sum3A_282 : vector<16xf32>, vector<16xi1> -> vector<16xf32>
      %reduce_sum3A_284 = vector.extract %reduce_sum3A_283[15] : f32 from vector<16xf32>
      %broadcast_in_dim3A_285 = vector.broadcast %reduce_sum3A_284 : f32 to vector<16xf32>
      %select_n3A_286 = arith.select %and3A_280, %broadcast_in_dim3A_285, %select_n3A_272 : vector<16xi1>, vector<16xf32>
      %jit3A_287 = arith.constant 0.000000e+00 : f32
      %broadcast_in_dim3A_288 = vector.broadcast %jit3A_287 : f32 to vector<16xf32>
      %select_n3A_289 = arith.select %eq3A_260, %broadcast_in_dim3A_288, %add3A_230 : vector<16xf32>
      %jit3A_290 = arith.constant 0.000000e+00 : f32
      %broadcast_in_dim3A_291 = vector.broadcast %jit3A_290 : f32 to vector<16xf32>
      %select_n3A_292 = arith.select %eq3A_260, %broadcast_in_dim3A_291, %add3A_231 : vector<16xf32>
      scf.yield %select_n3A_289, %select_n3A_292, %select_n3A_286 : vector<16xf32>, vector<16xf32>, vector<16xf32>
    }
    %scan3A_45 = arith.constant 3 : i32
    %swap3A = arith.constant 0 : index
    %swap3A_46 = tpu.vector_load %arg5[%swap3A] {strides = array<i32>} : memref<16xf32, #tpu.memory_space<vmem>>, vector<16xf32>,
    tpu.vector_store %arg5[%swap3A], %scan3A_44#2 {strides = array<i32>} : memref<16xf32, #tpu.memory_space<vmem>>, vector<16xf32>,
    "tpu.region"() ({
      %run_scoped3A = tpu.sem_alloc : memref<!tpu.dma_semaphore, #tpu.memory_space<semaphore_mem>>
      %dma_start3A_47 = arith.constant 0 : i32
      %dma_start3A_48 = tpu.memref_slice %arg3[%add3A, %dma_start3A_47] : memref<32x16xf32, #tpu.memory_space<hbm>> -> memref<1x16xf32, #tpu.memory_space<hbm>>
      %dma_start3A_49 = tpu.memref_squeeze %dma_start3A_48 : memref<1x16xf32, #tpu.memory_space<hbm>> -> memref<16xf32, #tpu.memory_space<hbm>>
      %dma_start3A_50 = arith.constant 0 : i32
      %dma_start3A_51 = tpu.memref_slice %arg3[%add3A, %dma_start3A_50] : memref<32x16xf32, #tpu.memory_space<hbm>> -> memref<1x16xf32, #tpu.memory_space<hbm>>
      %dma_start3A_52 = tpu.memref_squeeze %dma_start3A_51 : memref<1x16xf32, #tpu.memory_space<hbm>> -> memref<16xf32, #tpu.memory_space<hbm>>
      tpu.enqueue_dma source(%arg5 : memref<16xf32, #tpu.memory_space<vmem>>) target(%dma_start3A_52 : memref<16xf32, #tpu.memory_space<hbm>>) target_semaphore(%run_scoped3A : memref<!tpu.dma_semaphore, #tpu.memory_space<semaphore_mem>>)
      %dma_wait3A = arith.constant 0 : i32
      %dma_wait3A_53 = tpu.memref_slice %arg3[%add3A, %dma_wait3A] : memref<32x16xf32, #tpu.memory_space<hbm>> -> memref<1x16xf32, #tpu.memory_space<hbm>>
      %dma_wait3A_54 = tpu.memref_squeeze %dma_wait3A_53 : memref<1x16xf32, #tpu.memory_space<hbm>> -> memref<16xf32, #tpu.memory_space<hbm>>
      %dma_wait3A_55 = arith.constant 0 : i32
      %dma_wait3A_56 = tpu.memref_slice %arg3[%add3A, %dma_wait3A_55] : memref<32x16xf32, #tpu.memory_space<hbm>> -> memref<1x16xf32, #tpu.memory_space<hbm>>
      %dma_wait3A_57 = tpu.memref_squeeze %dma_wait3A_56 : memref<1x16xf32, #tpu.memory_space<hbm>> -> memref<16xf32, #tpu.memory_space<hbm>>
      tpu.wait_dma2 semaphore(%run_scoped3A : memref<!tpu.dma_semaphore, #tpu.memory_space<semaphore_mem>>) src(%arg5 : memref<16xf32, #tpu.memory_space<vmem>>) dst(%dma_wait3A_57 : memref<16xf32, #tpu.memory_space<hbm>>)
      tpu.yield
    }) : () -> ()
    return
  }
}

module attributes {stable_mosaic.version = 14 : i64} {
  func.func @_epilogue_body(%arg0: memref<32x16xf32, #tpu.memory_space<vmem>>, %arg1: memref<32x2x8xf32, #tpu.memory_space<vmem>>, %arg2: memref<4x1x4xf32, #tpu.memory_space<vmem>>, %arg3: memref<4x1x1xf32, #tpu.memory_space<vmem>>, %arg4: memref<4x4xf32, #tpu.memory_space<vmem>>, %arg5: memref<10x4x4xf32, #tpu.memory_space<vmem>>, %arg6: memref<10xf32, #tpu.memory_space<vmem>>, %arg7: memref<32x2x10xf32, #tpu.memory_space<vmem>>) attributes {dimension_semantics = [], scalar_prefetch = 0 : i64, scratch_operands = 0 : i64, tpu.core_type = #tpu.core_type<tc>} {
    %get3A = arith.constant 0 : index
    %get3A_0 = arith.constant 0 : index
    %get3A_1 = vector.load %arg0[%get3A, %get3A_0] : memref<32x16xf32, #tpu.memory_space<vmem>>, vector<32x16xf32>
    %get3A_2 = arith.constant 0 : index
    %get3A_3 = arith.constant 0 : index
    %get3A_4 = arith.constant 0 : index
    %get3A_5 = vector.load %arg2[%get3A_2, %get3A_3, %get3A_4] : memref<4x1x4xf32, #tpu.memory_space<vmem>>, vector<4x1x4xf32>
    %mul3A = arith.mulf %get3A_5, %get3A_5 : vector<4x1x4xf32>
    %reduce_sum3A = arith.constant dense<0.000000e+00> : vector<4xf32>
    %reduce_sum3A_6 = vector.multi_reduction <add>, %mul3A, %reduce_sum3A [1, 2] : vector<4x1x4xf32> to vector<4xf32>
    %broadcast_in_dim3A = vector.shape_cast %reduce_sum3A_6 : vector<4xf32> to vector<4x1x1xf32>
    %sqrt3A = math.sqrt %broadcast_in_dim3A : vector<4x1x1xf32>
    %get3A_7 = arith.constant 0 : index
    %get3A_8 = arith.constant 0 : index
    %get3A_9 = arith.constant 0 : index
    %get3A_10 = vector.load %arg3[%get3A_7, %get3A_8, %get3A_9] : memref<4x1x1xf32, #tpu.memory_space<vmem>>, vector<4x1x1xf32>
    %mul3A_11 = vector.broadcast %get3A_10 : vector<4x1x1xf32> to vector<4x1x4xf32>
    %mul3A_12 = arith.mulf %mul3A_11, %get3A_5 : vector<4x1x4xf32>
    %div3A = vector.broadcast %sqrt3A : vector<4x1x1xf32> to vector<4x1x4xf32>
    %div3A_13 = arith.divf %mul3A_12, %div3A : vector<4x1x4xf32>
    %squeeze3A = vector.shape_cast %div3A_13 : vector<4x1x4xf32> to vector<4x4xf32>
    %get3A_14 = arith.constant 0 : index
    %get3A_15 = arith.constant 0 : index
    %get3A_16 = arith.constant 0 : index
    %get3A_17 = vector.load %arg5[%get3A_14, %get3A_15, %get3A_16] : memref<10x4x4xf32, #tpu.memory_space<vmem>>, vector<10x4x4xf32>
    %broadcast_in_dim3A_18 = vector.shape_cast %squeeze3A : vector<4x4xf32> to vector<1x4x4xf32>
    %mul3A_19 = vector.broadcast %broadcast_in_dim3A_18 : vector<1x4x4xf32> to vector<10x4x4xf32>
    %mul3A_20 = arith.mulf %mul3A_19, %get3A_17 : vector<10x4x4xf32>
    %reduce_sum3A_21 = arith.constant dense<0.000000e+00> : vector<10x4xf32>
    %reduce_sum3A_22 = vector.multi_reduction <add>, %mul3A_20, %reduce_sum3A_21 [2] : vector<10x4x4xf32> to vector<10x4xf32>
    %get3A_23 = arith.constant 0 : index
    %get3A_24 = vector.load %arg6[%get3A_23] : memref<10xf32, #tpu.memory_space<vmem>>, vector<10xf32>
    %get3A_25 = arith.constant 0 : index
    %get3A_26 = arith.constant 0 : index
    %get3A_27 = vector.load %arg4[%get3A_25, %get3A_26] : memref<4x4xf32, #tpu.memory_space<vmem>>, vector<4x4xf32>
    %broadcast_in_dim3A_28 = vector.shape_cast %get3A_27 : vector<4x4xf32> to vector<1x4x4xf32>
    %mul3A_29 = vector.broadcast %broadcast_in_dim3A_28 : vector<1x4x4xf32> to vector<10x4x4xf32>
    %mul3A_30 = arith.mulf %mul3A_29, %get3A_17 : vector<10x4x4xf32>
    %reduce_sum3A_31 = arith.constant dense<0.000000e+00> : vector<10xf32>
    %reduce_sum3A_32 = vector.multi_reduction <add>, %mul3A_30, %reduce_sum3A_31 [1, 2] : vector<10x4x4xf32> to vector<10xf32>
    %add3A = arith.addf %get3A_24, %reduce_sum3A_32 : vector<10xf32>
    %get3A_33 = arith.constant 0 : index
    %get3A_34 = arith.constant 0 : index
    %get3A_35 = arith.constant 0 : index
    %get3A_36 = vector.load %arg1[%get3A_33, %get3A_34, %get3A_35] : memref<32x2x8xf32, #tpu.memory_space<vmem>>, vector<32x1x8xf32>
    %get3A_37 = vector.shape_cast %get3A_36 : vector<32x1x8xf32> to vector<32x8xf32>
    %slice3A = vector.extract_strided_slice %get3A_1 {offsets = [0, 0], sizes = [32, 1], strides = [1, 1]} : vector<32x16xf32> to vector<32x1xf32>
    %slice3A_38 = vector.extract_strided_slice %get3A_37 {offsets = [0, 2], sizes = [32, 1], strides = [1, 1]} : vector<32x8xf32> to vector<32x1xf32>
    %add3A_39 = arith.addf %slice3A, %slice3A_38 : vector<32x1xf32>
    %slice3A_40 = vector.extract_strided_slice %get3A_1 {offsets = [0, 1], sizes = [32, 1], strides = [1, 1]} : vector<32x16xf32> to vector<32x1xf32>
    %slice3A_41 = vector.extract_strided_slice %get3A_37 {offsets = [0, 0], sizes = [32, 1], strides = [1, 1]} : vector<32x8xf32> to vector<32x1xf32>
    %add3A_42 = arith.addf %slice3A_40, %slice3A_41 : vector<32x1xf32>
    %slice3A_43 = vector.extract_strided_slice %get3A_1 {offsets = [0, 2], sizes = [32, 1], strides = [1, 1]} : vector<32x16xf32> to vector<32x1xf32>
    %slice3A_44 = vector.extract_strided_slice %get3A_37 {offsets = [0, 1], sizes = [32, 1], strides = [1, 1]} : vector<32x8xf32> to vector<32x1xf32>
    %add3A_45 = arith.addf %slice3A_43, %slice3A_44 : vector<32x1xf32>
    %slice3A_46 = vector.extract_strided_slice %get3A_1 {offsets = [0, 3], sizes = [32, 1], strides = [1, 1]} : vector<32x16xf32> to vector<32x1xf32>
    %slice3A_47 = vector.extract_strided_slice %get3A_37 {offsets = [0, 3], sizes = [32, 1], strides = [1, 1]} : vector<32x8xf32> to vector<32x1xf32>
    %add3A_48 = arith.addf %slice3A_46, %slice3A_47 : vector<32x1xf32>
    %concatenate3A = tpu.concatenate %add3A_39, %add3A_42, %add3A_45, %add3A_48 in 1 : vector<32x1xf32>, vector<32x1xf32>, vector<32x1xf32>, vector<32x1xf32> -> vector<32x4xf32>
    %transpose3A = tpu.transpose %reduce_sum3A_22, [1, 0] : vector<10x4xf32> -> vector<4x10xf32>
    %dot_general3A = arith.constant dense<0.000000e+00> : vector<32x10xf32>
    %dot_general3A_49 = tpu.matmul %concatenate3A, %transpose3A, %dot_general3A {dimension_numbers = #tpu.dot_dimension_numbers<[1], [0], [0], [1], [0, 0, 1, 1], [], []>, transpose_lhs_hint = false} : vector<32x4xf32>, vector<4x10xf32>, vector<32x10xf32> -> vector<32x10xf32>
    %broadcast_in_dim3A_50 = vector.shape_cast %add3A : vector<10xf32> to vector<1x10xf32>
    %add3A_51 = vector.broadcast %broadcast_in_dim3A_50 : vector<1x10xf32> to vector<32x10xf32>
    %add3A_52 = arith.addf %dot_general3A_49, %add3A_51 : vector<32x10xf32>
    %swap3A = arith.constant 0 : index
    %swap3A_53 = arith.constant 0 : index
    %swap3A_54 = arith.constant 0 : index
    %swap3A_55 = vector.load %arg7[%swap3A, %swap3A_53, %swap3A_54] : memref<32x2x10xf32, #tpu.memory_space<vmem>>, vector<32x1x10xf32>
    %swap3A_56 = vector.shape_cast %swap3A_55 : vector<32x1x10xf32> to vector<32x10xf32>
    %swap3A_57 = vector.shape_cast %add3A_52 : vector<32x10xf32> to vector<32x1x10xf32>
    tpu.vector_store %arg7[%swap3A, %swap3A_53, %swap3A_54], %swap3A_57 {strides = array<i32>} : memref<32x2x10xf32, #tpu.memory_space<vmem>>, vector<32x1x10xf32>,
    %get3A_58 = arith.constant 0 : index
    %get3A_59 = arith.constant 1 : index
    %get3A_60 = arith.constant 0 : index
    %get3A_61 = vector.load %arg1[%get3A_58, %get3A_59, %get3A_60] : memref<32x2x8xf32, #tpu.memory_space<vmem>>, vector<32x1x8xf32>
    %get3A_62 = vector.shape_cast %get3A_61 : vector<32x1x8xf32> to vector<32x8xf32>
    %slice3A_63 = vector.extract_strided_slice %get3A_1 {offsets = [0, 8], sizes = [32, 1], strides = [1, 1]} : vector<32x16xf32> to vector<32x1xf32>
    %slice3A_64 = vector.extract_strided_slice %get3A_62 {offsets = [0, 2], sizes = [32, 1], strides = [1, 1]} : vector<32x8xf32> to vector<32x1xf32>
    %add3A_65 = arith.addf %slice3A_63, %slice3A_64 : vector<32x1xf32>
    %slice3A_66 = vector.extract_strided_slice %get3A_1 {offsets = [0, 9], sizes = [32, 1], strides = [1, 1]} : vector<32x16xf32> to vector<32x1xf32>
    %slice3A_67 = vector.extract_strided_slice %get3A_62 {offsets = [0, 0], sizes = [32, 1], strides = [1, 1]} : vector<32x8xf32> to vector<32x1xf32>
    %add3A_68 = arith.addf %slice3A_66, %slice3A_67 : vector<32x1xf32>
    %slice3A_69 = vector.extract_strided_slice %get3A_1 {offsets = [0, 10], sizes = [32, 1], strides = [1, 1]} : vector<32x16xf32> to vector<32x1xf32>
    %slice3A_70 = vector.extract_strided_slice %get3A_62 {offsets = [0, 1], sizes = [32, 1], strides = [1, 1]} : vector<32x8xf32> to vector<32x1xf32>
    %add3A_71 = arith.addf %slice3A_69, %slice3A_70 : vector<32x1xf32>
    %slice3A_72 = vector.extract_strided_slice %get3A_1 {offsets = [0, 11], sizes = [32, 1], strides = [1, 1]} : vector<32x16xf32> to vector<32x1xf32>
    %slice3A_73 = vector.extract_strided_slice %get3A_62 {offsets = [0, 3], sizes = [32, 1], strides = [1, 1]} : vector<32x8xf32> to vector<32x1xf32>
    %add3A_74 = arith.addf %slice3A_72, %slice3A_73 : vector<32x1xf32>
    %concatenate3A_75 = tpu.concatenate %add3A_65, %add3A_68, %add3A_71, %add3A_74 in 1 : vector<32x1xf32>, vector<32x1xf32>, vector<32x1xf32>, vector<32x1xf32> -> vector<32x4xf32>
    %transpose3A_76 = tpu.transpose %reduce_sum3A_22, [1, 0] : vector<10x4xf32> -> vector<4x10xf32>
    %dot_general3A_77 = arith.constant dense<0.000000e+00> : vector<32x10xf32>
    %dot_general3A_78 = tpu.matmul %concatenate3A_75, %transpose3A_76, %dot_general3A_77 {dimension_numbers = #tpu.dot_dimension_numbers<[1], [0], [0], [1], [0, 0, 1, 1], [], []>, transpose_lhs_hint = false} : vector<32x4xf32>, vector<4x10xf32>, vector<32x10xf32> -> vector<32x10xf32>
    %broadcast_in_dim3A_79 = vector.shape_cast %add3A : vector<10xf32> to vector<1x10xf32>
    %add3A_80 = vector.broadcast %broadcast_in_dim3A_79 : vector<1x10xf32> to vector<32x10xf32>
    %add3A_81 = arith.addf %dot_general3A_78, %add3A_80 : vector<32x10xf32>
    %swap3A_82 = arith.constant 0 : index
    %swap3A_83 = arith.constant 1 : index
    %swap3A_84 = arith.constant 0 : index
    %swap3A_85 = vector.load %arg7[%swap3A_82, %swap3A_83, %swap3A_84] : memref<32x2x10xf32, #tpu.memory_space<vmem>>, vector<32x1x10xf32>
    %swap3A_86 = vector.shape_cast %swap3A_85 : vector<32x1x10xf32> to vector<32x10xf32>
    %swap3A_87 = vector.shape_cast %add3A_81 : vector<32x10xf32> to vector<32x1x10xf32>
    tpu.vector_store %arg7[%swap3A_82, %swap3A_83, %swap3A_84], %swap3A_87 {strides = array<i32>} : memref<32x2x10xf32, #tpu.memory_space<vmem>>, vector<32x1x10xf32>,
    return
  }
}

module attributes {stable_mosaic.version = 14 : i64} {
  func.func @_bottom_body(%arg0: i32, %arg1: memref<64x64x512xf32, #tpu.memory_space<vmem>>, %arg2: memref<64x1x8xf32, #tpu.memory_space<vmem>>) attributes {dimension_semantics = [#tpu.dimension_semantics<arbitrary>], iteration_bounds = array<i64: 5>, scalar_prefetch = 0 : i64, scratch_operands = 0 : i64, tpu.core_type = #tpu.core_type<tc>, window_params = [{transform_indices = @transform_0, window_bounds = array<i64: 64, 64, 512>}, {pipeline_mode = #tpu.pipeline_mode<synchronous>, transform_indices = @transform_1, window_bounds = array<i64: 64, 1, 8>}]} {
    %get3A = arith.constant 0 : index
    %get3A_0 = arith.constant 0 : index
    %get3A_1 = arith.constant 0 : index
    %get3A_2 = vector.load %arg1[%get3A, %get3A_0, %get3A_1] : memref<64x64x512xf32, #tpu.memory_space<vmem>>, vector<64x64x512xf32>
    %slice3A = vector.extract_strided_slice %get3A_2 {offsets = [0, 0, 0], sizes = [64, 64, 256], strides = [1, 1, 1]} : vector<64x64x512xf32> to vector<64x64x256xf32>
    %reduce_sum3A = arith.constant dense<0.000000e+00> : vector<64xf32>
    %reduce_sum3A_3 = vector.multi_reduction <add>, %slice3A, %reduce_sum3A [1, 2] : vector<64x64x256xf32> to vector<64xf32>
    %slice3A_4 = vector.extract_strided_slice %get3A_2 {offsets = [0, 0, 256], sizes = [64, 64, 256], strides = [1, 1, 1]} : vector<64x64x512xf32> to vector<64x64x256xf32>
    %reduce_sum3A_5 = arith.constant dense<0.000000e+00> : vector<64xf32>
    %reduce_sum3A_6 = vector.multi_reduction <add>, %slice3A_4, %reduce_sum3A_5 [1, 2] : vector<64x64x256xf32> to vector<64xf32>
    %mul3A = arith.constant 64 : i32
    %mul3A_7 = arith.muli %arg0, %mul3A : i32
    %add3A = arith.constant 192 : i32
    %add3A_8 = arith.addi %add3A, %mul3A_7 : i32
    %lt3A = arith.constant 256 : i32
    %lt3A_9 = arith.cmpi slt, %add3A_8, %lt3A : i32
    %jit3A = arith.constant 2 : i32
    %jit3A_10 = arith.constant 0 : i32
    %select_n3A = arith.select %lt3A_9, %jit3A, %jit3A_10 : i32
    %iota3A = tpu.iota {dimensions = array<i32: 2>} : vector<64x1x8xi32>
    %eq3A = vector.broadcast %select_n3A : i32 to vector<64x1x8xi32>
    %eq3A_11 = arith.cmpi eq, %iota3A, %eq3A : vector<64x1x8xi32>
    %broadcast_in_dim3A = vector.shape_cast %reduce_sum3A_3 : vector<64xf32> to vector<64x1x1xf32>
    %add3A_12 = arith.constant 1 : i32
    %add3A_13 = arith.addi %select_n3A, %add3A_12 : i32
    %eq3A_14 = vector.broadcast %add3A_13 : i32 to vector<64x1x8xi32>
    %eq3A_15 = arith.cmpi eq, %iota3A, %eq3A_14 : vector<64x1x8xi32>
    %broadcast_in_dim3A_16 = vector.shape_cast %reduce_sum3A_6 : vector<64xf32> to vector<64x1x1xf32>
    %jit3A_17 = arith.constant 0.000000e+00 : f32
    %broadcast_in_dim3A_18 = vector.shape_cast %broadcast_in_dim3A_16 : vector<64x1x1xf32> to vector<64x1x1xf32>
    %broadcast_in_dim3A_19 = vector.broadcast %broadcast_in_dim3A_18 : vector<64x1x1xf32> to vector<64x1x8xf32>
    %broadcast_in_dim3A_20 = vector.broadcast %jit3A_17 : f32 to vector<64x1x8xf32>
    %select_n3A_21 = arith.select %eq3A_15, %broadcast_in_dim3A_19, %broadcast_in_dim3A_20 : vector<64x1x8xi1>, vector<64x1x8xf32>
    %broadcast_in_dim3A_22 = vector.shape_cast %broadcast_in_dim3A : vector<64x1x1xf32> to vector<64x1x1xf32>
    %broadcast_in_dim3A_23 = vector.broadcast %broadcast_in_dim3A_22 : vector<64x1x1xf32> to vector<64x1x8xf32>
    %select_n3A_24 = arith.select %eq3A_11, %broadcast_in_dim3A_23, %select_n3A_21 : vector<64x1x8xi1>, vector<64x1x8xf32>
    %eq3A_25 = arith.constant 0 : i32
    %eq3A_26 = arith.cmpi eq, %arg0, %eq3A_25 : i32
    %convert_element_type3A = arith.extui %eq3A_26 : i1 to i32
    %cond3A = arith.constant 0 : i32
    %cond3A_27 = arith.cmpi ne, %convert_element_type3A, %cond3A : i32
    scf.if %cond3A_27 {
      %swap3A = arith.constant 0 : index
      %swap3A_32 = arith.constant 0 : index
      %swap3A_33 = arith.constant 0 : index
      %swap3A_34 = vector.load %arg2[%swap3A, %swap3A_32, %swap3A_33] : memref<64x1x8xf32, #tpu.memory_space<vmem>>, vector<64x1x8xf32>
      tpu.vector_store %arg2[%swap3A, %swap3A_32, %swap3A_33], %select_n3A_24 {strides = array<i32>} : memref<64x1x8xf32, #tpu.memory_space<vmem>>, vector<64x1x8xf32>,
    } else {
    }
    %ne3A = arith.constant 0 : i32
    %ne3A_28 = arith.cmpi ne, %arg0, %ne3A : i32
    %convert_element_type3A_29 = arith.extui %ne3A_28 : i1 to i32
    %cond3A_30 = arith.constant 0 : i32
    %cond3A_31 = arith.cmpi ne, %convert_element_type3A_29, %cond3A_30 : i32
    scf.if %cond3A_31 {
      %get3A_32 = arith.constant 0 : index
      %get3A_33 = arith.constant 0 : index
      %get3A_34 = arith.constant 0 : index
      %get3A_35 = vector.load %arg2[%get3A_32, %get3A_33, %get3A_34] : memref<64x1x8xf32, #tpu.memory_space<vmem>>, vector<64x1x8xf32>
      %add3A_36 = arith.addf %get3A_35, %select_n3A_24 : vector<64x1x8xf32>
      %swap3A = arith.constant 0 : index
      %swap3A_37 = arith.constant 0 : index
      %swap3A_38 = arith.constant 0 : index
      %swap3A_39 = vector.load %arg2[%swap3A, %swap3A_37, %swap3A_38] : memref<64x1x8xf32, #tpu.memory_space<vmem>>, vector<64x1x8xf32>
      tpu.vector_store %arg2[%swap3A, %swap3A_37, %swap3A_38], %add3A_36 {strides = array<i32>} : memref<64x1x8xf32, #tpu.memory_space<vmem>>, vector<64x1x8xf32>,
    } else {
    }
    return
  }
  func.func @transform_0(%arg0: i32) -> (i32, i32, i32) {
    %add3A = arith.constant 3 : i32
    %add3A_0 = arith.addi %add3A, %arg0 : i32
    %c0_i32 = arith.constant 0 : i32
    %c0_i32_1 = arith.constant 0 : i32
    %c0_i32_2 = arith.constant 0 : i32
    return %c0_i32, %add3A_0, %c0_i32_1 : i32, i32, i32
  }
  func.func @transform_1(%arg0: i32) -> (i32, i32, i32) {
    %c0_i32 = arith.constant 0 : i32
    %c0_i32_0 = arith.constant 0 : i32
    %c0_i32_1 = arith.constant 0 : i32
    %c0_i32_2 = arith.constant 0 : i32
    return %c0_i32, %c0_i32_0, %c0_i32_1 : i32, i32, i32
  }
}

</mosaic_0001>

<sc_bundles>
// kernel: kernel.5.cloned.1.call-start
scs
__scs_entry_jumppad:
0x0: {  	(pc) =	sbr.rel $0x88, $3  }
0x1: {  	(tag) =	ssettag $0x0;
	lr =	simm.s32 $0x1  }
0x2: {  	[smem:$0x3F9B] =	sst lr;
	_ =	strace $0xD0000000  }
0x3: {  	_ = 	snop  }
0x4: {  	_ = 	snop  }
0x5: {  	_ = 	snop  }
0x6: {  	_ = 	snop  }
0x7: {  	_ = 	snop  }
__scs_overlays_trampoline_lowered:
0x8: {  	[smem:$0x3FAA] =	sst s0  }
0x9: {  	[smem:$0x3FAB] =	sst s1  }
0xa: {  	[smem:$0x3FAC] =	sst s2  }
0xb: {  	[smem:$0x3FAD] =	sst s3  }
0xc: {  	[smem:$0x3FAE] =	sst s4  }
0xd: {  	[smem:$0x3FAF] =	sst s5  }
0xe: {  	[smem:$0x3FB0] =	sst s6  }
0xf: {  	[smem:$0x3FB1] =	sst s7  }
0x10: {  	[smem:$0x3FB2] =	sst s8  }
0x11: {  	[smem:$0x3FB3] =	sst s9;
	s0 =	simm.s32 @!p0 $0x0  }
0x12: {  	s1 =	sld [smem:$0x3F99];
	s0 =	simm.s32 @p0 $0x1  }
0x13: {  	[smem:$0x3FB4] =	sst s0;
	s0 =	simm.s32 @!p1 $0x0  }
0x14: {  	s2 =	sld [smem:$0x3F98];
	s0 =	simm.s32 @p1 $0x1  }
0x15: {  	[smem:$0x3FB5] =	sst s0;
	s0 =	simm.s32 @!p2 $0x0  }
0x16: {  	s3 =	sld [smem:$0x3FDB];
	s0 =	simm.s32 @p2 $0x1  }
0x17: {  	s4 =	simm.s32 $0x1BF5;
	[smem:$0x3FB7] =	sst s0  }
0x18: {  	s0 =	sld [smem:$0x3F9A];
	_ =	swait.ge [sflag:s4], $0x0  }
0x19: {  	s7 =	sld [smem:$0x3F9B]  }
0x1a: {  	s8 =	sadd.s32 $0xFFFFE003, lr  }
0x1b: {  	s9 =	sadd.s32 $0xFFFFFEF7, lr;
	s5 =	simm.s32 $0xFFFFFFFF;
	p2 =	slt.u32 s8, $0xFFFFF086  }
0x1c: {  	p1 =	slt.u32 s9, $0xF7A;
	s5 =	simm.s32 @!p2 $0x0  }
0x1d: {  	s5 =	simm.s32 @p1 $0x1;
	p0 =	seq.s32 s7, s2  }
0x1e: {  	s7 =	smul.u32 @!p0 $0xF7A, s2;
	p2 =	seq.s32 @!p0 s5, $0x0  }
0x1f: {  	s9 =	smul.u32 $0xF7A, s1;
	s8 =	simm.s32 @!p0 $0x1BF5;
	p2 =	por !p2, p0  }
0x20: {  	[sflag:s8] =	ssyncset.s32 @!p0 $0xFFFFF086;
	s6 =	sadd.s32 @!p0 s3, s7;
	s7 =	simm.s32 @!p0 $0x108  }
0x21: {  	s3 =	sadd.s32 s3, s9;
	s6 =	sadd.s32 @!p0 $0x88, s6;
	s7 =	simm.s32 @p2 $0x1082  }
0x22: {  	[simem:s7], [sflag:s8] =	dma.local @!p0 [hbm:s6], $0xF7A  }
0x23: {  	s9 =	sor.u32 $0xD0000000, s2;
	s6 =	simm.s32 $0x108;
	_ =	swait.ge @!p0 [sflag:s8], $0x0  }
0x24: {  	s3 =	sadd.s32 $0x88, s3;
	s6 =	simm.s32 @!p1 $0x1082;
	[sflag:s4] =	ssyncset.s32 $0xFFFFF086  }
0x25: {  	[simem:s6], [sflag:s4] =	dma.local [hbm:s3], $0xF7A  }
0x26: {  	[smem:$0x3F9B] =	sst s1;
	(tag) =	ssettag s2;
	_ =	strace s9  }
0x27: {  	s1 =	sld [smem:$0x3FAB]  }
0x28: {  	s2 =	sld [smem:$0x3FAC]  }
0x29: {  	s4 =	sld [smem:$0x3FAE]  }
0x2a: {  	p0 =	seq.s32 s5, $0x0;
	s5 =	sld [smem:$0x3FAF]  }
0x2b: {  	s6 =	sld [smem:$0x3FB0]  }
0x2c: {  	s7 =	sld [smem:$0x3FB1]  }
0x2d: {  	s3 =	simm.s32 $0x108;
	s8 =	sld [smem:$0x3FB2]  }
0x2e: {  	s3 =	simm.s32 @!p0 $0x1082;
	s9 =	sld [smem:$0x3FB3]  }
0x2f: {  	lr =	sadd.s32 s0, s3;
	s0 =	sld [smem:$0x3FAA]  }
0x30: {  	s3 =	sld [smem:$0x3FAD]  }
0x31: {  	[smem:$0x3FB6] =	sst s10  }
0x32: {  	s10 =	sld [smem:$0x3FB4];
	_ =	sdelay $0x3  }
0x33: {  	p0 =	seq.s32 s10, $0x1;
	s10 =	sld [smem:$0x3FB6];
	_ =	sdelay $0x3  }
0x34: {  	[smem:$0x3FB6] =	sst s10  }
0x35: {  	s10 =	sld [smem:$0x3FB5];
	_ =	sdelay $0x3  }
0x36: {  	p1 =	seq.s32 s10, $0x1;
	s10 =	sld [smem:$0x3FB6];
	_ =	sdelay $0x3  }
0x37: {  	[smem:$0x3FB6] =	sst s10  }
0x38: {  	s10 =	sld [smem:$0x3FB7]  }
0x39: {  	_ = 	snop;
	(pc) =	sbr.ind lr, $3  }
0x3a: {  	_ = 	snop  }
0x3b: {  	_ = 	snop  }
0x3c: {  	p2 =	seq.s32 s10, $0x1;
	s10 =	sld [smem:$0x3FB6]  }
0x3d: {  	_ =	shalt  }
0x3e: {  	_ =	shalt  }
0x3f: {  	_ =	shalt  }
0x40: {  	_ =	shalt  }
0x41: {  	_ =	shalt  }
0x42: {  	_ =	shalt  }
0x43: {  	_ =	shalt  }
0x44: {  	_ =	shalt  }
0x45: {  	_ =	shalt  }
0x46: {  	_ =	shalt  }
0x47: {  	_ =	shalt  }
0x48: {  	_ =	shalt  }
0x49: {  	_ =	shalt  }
0x4a: {  	_ =	shalt  }
0x4b: {  	_ =	shalt  }
0x4c: {  	_ =	shalt  }
0x4d: {  	_ =	shalt  }
0x4e: {  	_ =	shalt  }
0x4f: {  	_ =	shalt  }
0x50: {  	_ =	shalt  }
0x51: {  	_ =	shalt  }
0x52: {  	_ =	shalt  }
0x53: {  	_ =	shalt  }
0x54: {  	_ =	shalt  }
0x55: {  	_ =	shalt  }
0x56: {  	_ =	shalt  }
0x57: {  	_ =	shalt  }
0x58: {  	_ =	shalt  }
0x59: {  	_ =	shalt  }
0x5a: {  	_ =	shalt  }
0x5b: {  	_ =	shalt  }
0x5c: {  	_ =	shalt  }
0x5d: {  	_ =	shalt  }
0x5e: {  	_ =	shalt  }
0x5f: {  	_ =	shalt  }
0x60: {  	_ =	shalt  }
0x61: {  	_ =	shalt  }
0x62: {  	_ =	shalt  }
0x63: {  	_ =	shalt  }
0x64: {  	_ =	shalt  }
0x65: {  	_ =	shalt  }
0x66: {  	_ =	shalt  }
0x67: {  	_ =	shalt  }
0x68: {  	_ =	shalt  }
0x69: {  	_ =	shalt  }
0x6a: {  	_ =	shalt  }
0x6b: {  	_ =	shalt  }
0x6c: {  	_ =	shalt  }
0x6d: {  	_ =	shalt  }
0x6e: {  	_ =	shalt  }
0x6f: {  	_ =	shalt  }
0x70: {  	_ =	shalt  }
0x71: {  	_ =	shalt  }
0x72: {  	_ =	shalt  }
0x73: {  	_ =	shalt  }
0x74: {  	_ =	shalt  }
0x75: {  	_ =	shalt  }
0x76: {  	_ =	shalt  }
0x77: {  	_ =	shalt  }
0x78: {  	_ =	shalt  }
0x79: {  	_ =	shalt  }
0x7a: {  	_ =	shalt  }
0x7b: {  	_ =	shalt  }
0x7c: {  	_ =	shalt  }
0x7d: {  	_ =	shalt  }
0x7e: {  	_ =	shalt  }
0x7f: {  	_ =	shalt  }
0x80: {  	_ =	shalt  }
0x81: {  	_ =	shalt  }
0x82: {  	_ =	shalt  }
0x83: {  	_ =	shalt  }
0x84: {  	_ =	shalt  }
0x85: {  	_ =	shalt  }
0x86: {  	_ =	shalt  }
0x87: {  	_ =	shalt  }
.Lfunc_end0:
.L_simem_size_0:
called_computation_lowered:
.L_overlay_start_0:
0x88: {  	s2 =	sld [smem:$0x3FD9]  }
0x89: {  	s3 =	sld [smem:$0x3FFE];
	_ =	sdelay $0x1  }
0x8a: {  	s1 =	srdreg.scid  }
0x8b: {  	s0 =	sand.u32 $0x1, s1  }
0x8c: {  	s17 =	sshll.u32 s0, $0xA;
	s2 =	sadd.s32 s3, s2  }
0x8d: {  	s2 =	sadd.s32 s2, s17  }
0x8e: {  	[smem:$0x3FC2] =	sst s2  }
0x8f: {  	_ = 	snop  }
0x90: {  	s2 =	sld [smem:$0x3FC9];
	(tm) =	ssettm $0x1  }
0x91: {  	s18 =	sld [smem:$0x3FFB];
	_ =	sdelay $0x3  }
0x92: {  	_ =	strace s18  }
0x93: {  	s3 =	sld [smem:$0x3FFC];
	_ =	sdelay $0x3  }
0x94: {  	_ =	strace s3  }
0x95: {  	s3 =	sld [smem:$0x3FFD];
	_ =	sdelay $0x3  }
0x96: {  	_ =	strace s3  }
0x97: {  	_ =	strace $0x8FFFFFFF  }
0x98: {  	s19 =	sld [smem:$0x3FDB];
	_ =	sdelay $0x1  }
0x99: {  	s4 =	simm.s32 $_scs_section_size  }
0x9a: {  	s5 =	simm.s32 $_size__tile_overlayer_lowered;
	s6 =	simm.s32 $_tile_overlayer_lowered  }
0x9b: {  	s22 =	simm.s32 $0x1BFF;
	s21 =	sshll.u32 s6, $0x1;
	s3 =	sadd.s32 s4, s19  }
0x9c: {  	s7 =	simm.s32 $0x0;
	s20 =	sshll.u32 s5, $0x1;
	s5 =	sadd.s32 s21, s3  }
0x9d: {  	[timem:s7], [sflag:s22] =	dma.local [hbm:s5], s20  }
0x9e: {  	_ =	swait.ge [sflag:s22], s20  }
0x9f: {  	s4 =	ssub.s32 $0x0, s20;
	[sflag:s22] =	ssyncset.done $0x0  }
0xa0: {  	[sflag:s22] =	ssyncadd.s32 s4;
	_ =	sdelay $0x1  }
0xa1: {  	s23 =	simm.s32 $0x1B8B  }
0xa2: {  	_ =	swait.ge [sflag:s23], $0x1  }
0xa3: {  	[sflag:s23] =	ssyncset.done $0x0  }
0xa4: {  	s25 =	simm.s32 $0x1B8E;
	s24 =	sld [smem:$0x3FFE];
	[sflag:s23] =	ssyncadd.s32 $0xFFFFFFFF  }
0xa5: {  	s26 =	simm.s32 $execute0_lowered;
	[smem:$0x3FD2] =	sst s25  }
0xa6: {  	s5 =	sshll.u32 s26, $0x1;
	_ =	strace $0x80000046;
	[dreg:$0x1] =	wrdreg $0xFFFFFFFF  }
0xa7: {  	s28 =	simm.s32 $_size_execute0_lowered;
	s3 =	sadd.s32 s3, s5;
	[dreg:$0x0] =	wrdreg $0x0  }
0xa8: {  	s5 =	sshll.u32 s28, $0x1;
	[dreg:$0x2] =	wrdreg s3  }
0xa9: {  	[dreg:$0x3] =	wrdreg s5  }
0xaa: {  	[dreg:$0x4] =	wrdreg $0xC0  }
0xab: {  	_ =	task [dreg:s7], $0x5FFFF  }
0xac: {  	[dreg:$0x1] =	wrdreg $0xFFFFFFFF  }
0xad: {  	[dreg:$0x0] =	wrdreg $0x60  }
0xae: {  	[dreg:$0x2] =	wrdreg s2  }
0xaf: {  	[dreg:$0x3] =	wrdreg s24  }
0xb0: {  	[dreg:$0x4] =	wrdreg $0x9  }
0xb1: {  	_ =	task.clear_ibuf [dreg:s7], $0x5FFFF;
	_ =	strace $0x90000046  }
0xb2: {  	s29 =	simm.s32 $0x9;
	_ =	strace $0x80000048  }
0xb3: {  	_ =	swait.ge [sflag:s29], $0x1  }
0xb4: {  	[sflag:s29] =	ssyncadd.s32 $0xFFFFFFFF  }
0xb5: {  	_ =	strace $0x90000048  }
0xb6: {  	_ =	sfence  }
0xb7: {  	s30 =	sld [smem:$0x0];
	_ =	sdelay $0x2  }
0xb8: {  	s31 =	sshll.u32 s1, $0xD;
	s1 =	sshrl.u32 s1, $0x2  }
0xb9: {  	s3 =	sand.u32 $0x4000, s31;
	s1 =	sadd.s32 s1, s30  }
0xba: {  	s0 =	sor.u32 s3, s0;
	s1 =	sshll.u32 s1, $0x11  }
0xbb: {  	s0 =	sor.u32 s1, s0  }
0xbc: {  	s0 =	sadd.s32 $0x8F2B, s0  }
0xbd: {  	[sflag:s0] =	ssyncadd.remote.s32 $0x1  }
0xbe: {  	_ =	sfence.sel $0xFFFF  }
0xbf: {  	[dreg:$0x0] =	wrdreg $0xFFFFFFFF;
	(pc) =	sbr.abs _section_cstart, $3  }
0xc0: {  	[dreg:$0x1] =	wrdreg $0xFFFFFFFF  }
0xc1: {  	_ =	task.clear_ibuf [dreg:s7], $0x2FFFF;
	_ =	strace $0x9FFFFFFF  }
0xc2: {  	(tm) =	ssettm $0x7FFFFFFF  }
0xc3: {  	_ =	shalt  }
tec
execute0_lowered:
.L_overlay_start_1:
0x0: {  	(tag) =	ssettag $0x1  }
0x1: {  	s2 =	rddreg [dreg:$0x0]  }
0x2: {  	s4 =	rddreg [dreg:$0x1]  }
0x3: {  	s0 =	rddreg [dreg:$0x2];
	s5 =	srdreg.scid  }
0x4: {  	s1 =	stileid.u32;
	s3 =	simm.s32 $0x0;
	s10 =	simm.s32 $0x1  }
0x5: {  	s11 =	simm.s32 $0x2;
	s12 =	simm.s32 $0x10000;
	s13 =	simm.s32 $0x3  }
0x6: {  	s14 =	simm.s32 $0x0;
	s5 =	sand.u32 $0x1, s5;
	s6 =	sshll.u32 s1, $0x1  }
0x7: {  	[smem:$0x7FF] =	sst s3;
	s6 =	sor.u32 s5, s6;
	s5 =	ssub.s32 $0x2, s5  }
0x8: {  	_ =	strace $0x80000047;
	s31 =	sshrl.u32 s5, $0x1;
	s8 =	sshll.u32 s6, $0x10  }
0x9: {  	s7 =	sshll.u32 s6, $0x4;
	s9 =	ssub.s32 s5, s31;
	s5 =	sadd.s32 s2, s8  }
0xa: {  	s7 =	sadd.s32 s7, s4;
	s4 =	sshll.u32 s6, $0x1;
	s6 =	sadd.s32 $0x1000, s5  }
0xb: {  	v0 =	vlaneseq.u32;
	vm0 =	vmxor vm0, vm0;
	s7 =	sadd.s32 $0x1000, s7;
	s8 =	smax.u32 s9, $0x1;
	s9 =	simm.s32 $0x8000  }
.LBB2_1:
0xc: {  	[tilespmem:s3], [sflag:$0x1] =	stream.linear.gather [hbm4b:s5+s3], $0x8000, $0x38;
	[tilespmem:$0x10080] =	vst v63  }
0xd: {  	s15 =	simm.s32 $0x0  }
0xe: {  	v1 =	vimm.f32 $0.0e+00;
	v2 =	vimm.f32 $0.0e+00;
	v3 =	vimm.f32 $0.0e+00;
	[tilespmem:s9], [sflag:$0x2] =	stream.linear.gather [hbm4b:s6+s3], $0x8000, $0x38;
	[tilespmem:$0x10080] =	vst v63  }
.LBB2_2:
0xf: {  	_ =	swait.ge [sflag:s10], $0x8000;
	s16 =	simm.s32 $0x0  }
0x10: {  	[sflag:s10] =	ssyncset.done $0x0;
	s17 =	sand.u32 $0x7000, s16;
	s18 =	sand.u32 $0x380, s16  }
0x11: {  	[sflag:s10] =	ssyncadd.s32 $0xFFFF8000;
	s17 =	sor.u32 s18, s17  }
0x12: {  	v4 =	vld [tilespmem:s17+$0x460]  }
0x13: {  	v5 =	vld [tilespmem:s17+$0x470]  }
0x14: {  	v7 =	vld [tilespmem:s17+$0x440]  }
0x15: {  	v8 =	vld [tilespmem:s17+$0x450]  }
0x16: {  	v12 =	vld [tilespmem:s17+$0x420]  }
0x17: {  	v13 =	vld [tilespmem:s17+$0x430]  }
0x18: {  	v15 =	vld [tilespmem:s17+$0x400]  }
0x19: {  	v16 =	vld [tilespmem:s17+$0x410]  }
0x1a: {  	v11 =	vld [tilespmem:s17+$0x60]  }
0x1b: {  	v14 =	vld [tilespmem:s17+$0x70]  }
0x1c: {  	v9 =	vld [tilespmem:s17+$0x40]  }
0x1d: {  	v10 =	vld [tilespmem:s17+$0x50]  }
0x1e: {  	v20 =	vld [tilespmem:s17+$0x20]  }
0x1f: {  	v21 =	vld [tilespmem:s17+$0x30]  }
0x20: {  	v6 =	vimm.f32 $0.0e+00;
	v22 =	vld [tilespmem:s17+$0x0]  }
0x21: {  	v19 =	vimm.f32 $0.0e+00;
	v17 =	vimm.f32 $0.0e+00;
	v18 =	vimm.f32 $0.0e+00;
	s18 =	simm.s32 $0x200;
	v23 =	vld [tilespmem:s17+$0x10]  }
.LBB2_3:
0x22: {  	p0 =	sne.s32 s18, $0x7E00;
	v24 =	vld [tilespmem:s17+$0x800]  }
0x23: {  	v25 =	vld [tilespmem:s17+$0x810]  }
0x24: {  	v26 =	vld [tilespmem:s17+$0x820]  }
0x25: {  	v27 =	vld [tilespmem:s17+$0x830]  }
0x26: {  	v28 =	vld [tilespmem:s17+$0x840]  }
0x27: {  	v6 =	vadd.f32 v22, v6;
	v19 =	vadd.f32 v23, v19;
	v22 =	vld [tilespmem:s17+$0x850]  }
0x28: {  	v17 =	vadd.f32 v24, v17;
	v18 =	vadd.f32 v25, v18;
	v23 =	vld [tilespmem:s17+$0x860]  }
0x29: {  	v6 =	vadd.f32 v20, v6;
	v19 =	vadd.f32 v21, v19;
	v20 =	vld [tilespmem:s17+$0x870]  }
0x2a: {  	v17 =	vadd.f32 v26, v17;
	v18 =	vadd.f32 v27, v18;
	v21 =	vld [tilespmem:s17+$0xC00]  }
0x2b: {  	v6 =	vadd.f32 v9, v6;
	v9 =	vadd.f32 v10, v19;
	v10 =	vld [tilespmem:s17+$0xC10]  }
0x2c: {  	v17 =	vadd.f32 v28, v17;
	v18 =	vadd.f32 v22, v18;
	v19 =	vld [tilespmem:s17+$0xC20]  }
0x2d: {  	v6 =	vadd.f32 v11, v6;
	v9 =	vadd.f32 v14, v9;
	v11 =	vld [tilespmem:s17+$0xC30]  }
0x2e: {  	v14 =	vadd.f32 v23, v17;
	v17 =	vadd.f32 v20, v18;
	v18 =	vld [tilespmem:s17+$0xC40]  }
0x2f: {  	s16 =	sadd.s32 $0x80, s16;
	v6 =	vadd.f32 v15, v6;
	v9 =	vadd.f32 v16, v9;
	v15 =	vld [tilespmem:s17+$0xC50]  }
0x30: {  	s19 =	sand.u32 $0x7000, s18;
	s20 =	sand.u32 $0x380, s16;
	v14 =	vadd.f32 v21, v14;
	v10 =	vadd.f32 v10, v17;
	v16 =	vld [tilespmem:s17+$0xC60]  }
0x31: {  	v6 =	vadd.f32 v12, v6;
	v9 =	vadd.f32 v13, v9;
	v13 =	vld [tilespmem:s17+$0xC70];
	s17 =	sor.u32 s20, s19  }
0x32: {  	v12 =	vadd.f32 v19, v14;
	v20 =	vld [tilespmem:s17+$0x460];
	v10 =	vadd.f32 v11, v10  }
0x33: {  	v6 =	vadd.f32 v7, v6;
	v9 =	vadd.f32 v8, v9;
	v11 =	vld [tilespmem:s17+$0x470]  }
0x34: {  	v14 =	vadd.f32 v18, v12;
	v7 =	vld [tilespmem:s17+$0x440];
	v10 =	vadd.f32 v15, v10  }
0x35: {  	v6 =	vadd.f32 v4, v6;
	v19 =	vadd.f32 v5, v9;
	v8 =	vld [tilespmem:s17+$0x450]  }
0x36: {  	v17 =	vadd.f32 v16, v14;
	v12 =	vld [tilespmem:s17+$0x420];
	v18 =	vadd.f32 v13, v10  }
0x37: {  	v13 =	vld [tilespmem:s17+$0x430];
	v4 =	vmov v20  }
0x38: {  	v15 =	vld [tilespmem:s17+$0x400];
	v5 =	vmov v11  }
0x39: {  	v16 =	vld [tilespmem:s17+$0x410]  }
0x3a: {  	v11 =	vld [tilespmem:s17+$0x60]  }
0x3b: {  	v14 =	vld [tilespmem:s17+$0x70]  }
0x3c: {  	v9 =	vld [tilespmem:s17+$0x40]  }
.Ltmp0:
0x3d: {  	v10 =	vld [tilespmem:s17+$0x50];
	(pc) =	sbr.rel @p0 .LBB2_3-.Ltmp0, $4  }
0x3e: {  	v20 =	vld [tilespmem:s17+$0x20]  }
0x3f: {  	v21 =	vld [tilespmem:s17+$0x30]  }
0x40: {  	v22 =	vld [tilespmem:s17+$0x0]  }
0x41: {  	s18 =	sadd.s32 $0x200, s18;
	v23 =	vld [tilespmem:s17+$0x10]  }
0x42: {  	v24 =	vld [tilespmem:s17+$0x800]  }
0x43: {  	v25 =	vld [tilespmem:s17+$0x810]  }
0x44: {  	v26 =	vld [tilespmem:s17+$0x820]  }
0x45: {  	v27 =	vld [tilespmem:s17+$0x830]  }
0x46: {  	v28 =	vld [tilespmem:s17+$0x840]  }
0x47: {  	v29 =	vld [tilespmem:s17+$0x850];
	s16 =	sshll.u32 s15, $0x1;
	p0 =	seq.s32 s15, $0x2  }
0x48: {  	v30 =	vld [tilespmem:s17+$0x860];
	s18 =	sadd.s32 @!p0 $0x2, s16  }
0x49: {  	v31 =	vld [tilespmem:s17+$0x870];
	s19 =	smulhi.u32 @!p0 $0x55555556, s18  }
0x4a: {  	v32 =	vld [tilespmem:s17+$0xC00]  }
0x4b: {  	v33 =	vld [tilespmem:s17+$0xC10];
	s20 =	smul.u32 @!p0 $0x1FFFD, s19  }
0x4c: {  	v34 =	vld [tilespmem:s17+$0xC20]  }
0x4d: {  	v35 =	vld [tilespmem:s17+$0xC30];
	s19 =	sadd.s32 @!p0 s4, s19;
	s18 =	sadd.s32 @!p0 s18, s20  }
0x4e: {  	v36 =	vld [tilespmem:s17+$0xC40];
	s19 =	sshll.u32 @!p0 s19, $0x12;
	s18 =	sshll.u32 @!p0 s18, $0xF  }
0x4f: {  	v37 =	vld [tilespmem:s17+$0xC50];
	s18 =	sadd.s32 @!p0 s19, s18  }
0x50: {  	v38 =	vld [tilespmem:s17+$0xC60];
	s18 =	sshrl.u32 @!p0 s18, $0x3  }
0x51: {  	v39 =	vld [tilespmem:s17+$0xC70];
	s17 =	sadd.s32 @!p0 s2, s18;
	s18 =	simm.s32 @!p0 $0x0  }
0x52: {  	[tilespmem:s18], [sflag:$0x1] =	stream.linear.gather @!p0 [hbm4b:s17+s18], $0x8000, $0x38;
	[tilespmem:$0x10080] =	vst v63  }
0x53: {  	v6 =	vadd.f32 v22, v6;
	s18 =	simm.s32 $0x0;
	_ =	swait.ge [sflag:s11], $0x8000  }
0x54: {  	v19 =	vadd.f32 v23, v19;
	v17 =	vadd.f32 v24, v17;
	s30 =	sand.u32 $0x7000, s18;
	s31 =	sand.u32 $0x380, s18;
	[sflag:s11] =	ssyncset.done $0x0  }
0x55: {  	v18 =	vadd.f32 v25, v18;
	v20 =	vadd.f32 v20, v6;
	s17 =	sor.u32 s31, s30;
	[sflag:s11] =	ssyncadd.s32 $0xFFFF8000  }
0x56: {  	v19 =	vadd.f32 v21, v19;
	v17 =	vadd.f32 v26, v17;
	v6 =	vld [tilespmem:s17+$0x8460]  }
0x57: {  	v18 =	vadd.f32 v27, v18;
	v20 =	vadd.f32 v9, v20;
	v9 =	vld [tilespmem:s17+$0x8470]  }
0x58: {  	v19 =	vadd.f32 v10, v19;
	v17 =	vadd.f32 v28, v17;
	v10 =	vld [tilespmem:s17+$0x8440]  }
0x59: {  	v18 =	vadd.f32 v29, v18;
	v20 =	vadd.f32 v11, v20;
	v11 =	vld [tilespmem:s17+$0x8450]  }
0x5a: {  	v19 =	vadd.f32 v14, v19;
	v17 =	vadd.f32 v30, v17;
	v14 =	vld [tilespmem:s17+$0x8420]  }
0x5b: {  	v18 =	vadd.f32 v31, v18;
	v20 =	vadd.f32 v15, v20;
	v15 =	vld [tilespmem:s17+$0x8430]  }
0x5c: {  	v19 =	vadd.f32 v16, v19;
	v17 =	vadd.f32 v32, v17;
	v16 =	vld [tilespmem:s17+$0x8400]  }
0x5d: {  	v18 =	vadd.f32 v33, v18;
	v20 =	vadd.f32 v12, v20;
	v12 =	vld [tilespmem:s17+$0x8410]  }
0x5e: {  	v19 =	vadd.f32 v13, v19;
	v17 =	vadd.f32 v34, v17;
	v13 =	vld [tilespmem:s17+$0x8060]  }
0x5f: {  	v18 =	vadd.f32 v35, v18;
	v20 =	vadd.f32 v7, v20;
	v7 =	vld [tilespmem:s17+$0x8070]  }
0x60: {  	v23 =	vld [tilespmem:s17+$0x8030];
	v19 =	vadd.f32 v8, v19  }
0x61: {  	v24 =	vld [tilespmem:s17+$0x8000];
	v21 =	vadd.f32 v36, v17;
	v18 =	vadd.f32 v37, v18  }
0x62: {  	v25 =	vld [tilespmem:s17+$0x8010];
	v4 =	vadd.f32 v4, v20;
	v5 =	vadd.f32 v5, v19  }
0x63: {  	s19 =	simm.s32 $0xFFFFFFFD;
	v8 =	vld [tilespmem:s17+$0x8040];
	v19 =	vadd.f32 v38, v21;
	v18 =	vadd.f32 v39, v18  }
0x64: {  	v22 =	vimm.f32 $0.0e+00;
	s19 =	simm.s32 @!p0 $0x0;
	v17 =	vld [tilespmem:s17+$0x8050];
	v20 =	vimm.f32 $0.0e+00;
	v5 =	vadd.f32 v5, v4  }
0x65: {  	s20 =	simm.s32 $0x200;
	s19 =	sadd.s32 s16, s19;
	v21 =	vld [tilespmem:s17+$0x8020];
	v4 =	vadd.f32 v18, v19;
	v18 =	vimm.f32 $0.0e+00;
	v19 =	vimm.f32 $0.0e+00  }
.LBB2_5:
0x66: {  	p1 =	sne.s32 s20, $0x7E00;
	v26 =	vld [tilespmem:s17+$0x8800]  }
0x67: {  	v27 =	vld [tilespmem:s17+$0x8810]  }
0x68: {  	v28 =	vld [tilespmem:s17+$0x8820]  }
0x69: {  	v29 =	vld [tilespmem:s17+$0x8830]  }
0x6a: {  	v30 =	vld [tilespmem:s17+$0x8840]  }
0x6b: {  	v18 =	vadd.f32 v24, v18;
	v22 =	vadd.f32 v25, v22;
	v24 =	vld [tilespmem:s17+$0x8850]  }
0x6c: {  	v19 =	vadd.f32 v26, v19;
	v20 =	vadd.f32 v27, v20;
	v25 =	vld [tilespmem:s17+$0x8860]  }
0x6d: {  	v18 =	vadd.f32 v21, v18;
	v21 =	vadd.f32 v23, v22;
	v22 =	vld [tilespmem:s17+$0x8870]  }
0x6e: {  	v19 =	vadd.f32 v28, v19;
	v20 =	vadd.f32 v29, v20;
	v23 =	vld [tilespmem:s17+$0x8C00]  }
0x6f: {  	v8 =	vadd.f32 v8, v18;
	v17 =	vadd.f32 v17, v21;
	v18 =	vld [tilespmem:s17+$0x8C10]  }
0x70: {  	v19 =	vadd.f32 v30, v19;
	v20 =	vadd.f32 v24, v20;
	v21 =	vld [tilespmem:s17+$0x8C20]  }
0x71: {  	v8 =	vadd.f32 v13, v8;
	v7 =	vadd.f32 v7, v17;
	v13 =	vld [tilespmem:s17+$0x8C30]  }
0x72: {  	v17 =	vadd.f32 v25, v19;
	v19 =	vadd.f32 v22, v20;
	v20 =	vld [tilespmem:s17+$0x8C40]  }
0x73: {  	s18 =	sadd.s32 $0x80, s18;
	v8 =	vadd.f32 v16, v8;
	v7 =	vadd.f32 v12, v7;
	v12 =	vld [tilespmem:s17+$0x8C50]  }
0x74: {  	s21 =	sand.u32 $0x7000, s20;
	s22 =	sand.u32 $0x380, s18;
	v16 =	vadd.f32 v23, v17;
	v17 =	vadd.f32 v18, v19;
	v19 =	vld [tilespmem:s17+$0x8C60]  }
0x75: {  	v8 =	vadd.f32 v14, v8;
	v7 =	vadd.f32 v15, v7;
	v15 =	vld [tilespmem:s17+$0x8C70];
	s17 =	sor.u32 s22, s21  }
0x76: {  	v14 =	vadd.f32 v21, v16;
	v23 =	vld [tilespmem:s17+$0x8460];
	v13 =	vadd.f32 v13, v17  }
0x77: {  	v8 =	vadd.f32 v10, v8;
	v7 =	vadd.f32 v11, v7;
	v17 =	vld [tilespmem:s17+$0x8470]  }
0x78: {  	v16 =	vadd.f32 v20, v14;
	v10 =	vld [tilespmem:s17+$0x8440];
	v12 =	vadd.f32 v12, v13  }
0x79: {  	v18 =	vadd.f32 v6, v8;
	v22 =	vadd.f32 v9, v7;
	v11 =	vld [tilespmem:s17+$0x8450]  }
0x7a: {  	v19 =	vadd.f32 v19, v16;
	v14 =	vld [tilespmem:s17+$0x8420];
	v20 =	vadd.f32 v15, v12  }
0x7b: {  	v15 =	vld [tilespmem:s17+$0x8430];
	v6 =	vmov v23  }
0x7c: {  	v16 =	vld [tilespmem:s17+$0x8400];
	v9 =	vmov v17  }
0x7d: {  	v12 =	vld [tilespmem:s17+$0x8410]  }
0x7e: {  	v13 =	vld [tilespmem:s17+$0x8060]  }
0x7f: {  	v7 =	vld [tilespmem:s17+$0x8070]  }
0x80: {  	v8 =	vld [tilespmem:s17+$0x8040]  }
.Ltmp1:
0x81: {  	v17 =	vld [tilespmem:s17+$0x8050];
	(pc) =	sbr.rel @p1 .LBB2_5-.Ltmp1, $4  }
0x82: {  	v21 =	vld [tilespmem:s17+$0x8020]  }
0x83: {  	v23 =	vld [tilespmem:s17+$0x8030]  }
0x84: {  	v24 =	vld [tilespmem:s17+$0x8000]  }
0x85: {  	s20 =	sadd.s32 $0x200, s20;
	v25 =	vld [tilespmem:s17+$0x8010]  }
0x86: {  	v26 =	vld [tilespmem:s17+$0x8800]  }
0x87: {  	v27 =	vld [tilespmem:s17+$0x8810]  }
0x88: {  	v28 =	vld [tilespmem:s17+$0x8820]  }
0x89: {  	v29 =	vld [tilespmem:s17+$0x8830]  }
0x8a: {  	v30 =	vld [tilespmem:s17+$0x8840];
	v3 =	vadd.f32 v5, v3;
	v2 =	vadd.f32 v4, v2  }
0x8b: {  	v41 =	vld [tilespmem:s17+$0x8850];
	v18 =	vadd.f32 v24, v18;
	v22 =	vadd.f32 v25, v22  }
0x8c: {  	v42 =	vld [tilespmem:s17+$0x8860];
	v19 =	vadd.f32 v26, v19;
	v20 =	vadd.f32 v27, v20  }
0x8d: {  	v44 =	vld [tilespmem:s17+$0x8870];
	v18 =	vadd.f32 v21, v18;
	v43 =	vadd.f32 v23, v22  }
0x8e: {  	v45 =	vld [tilespmem:s17+$0x8C00];
	v19 =	vadd.f32 v28, v19;
	v20 =	vadd.f32 v29, v20  }
0x8f: {  	v46 =	vld [tilespmem:s17+$0x8C10];
	v8 =	vadd.f32 v8, v18;
	v17 =	vadd.f32 v17, v43  }
0x90: {  	v47 =	vld [tilespmem:s17+$0x8C20];
	v19 =	vadd.f32 v30, v19;
	v20 =	vadd.f32 v41, v20  }
0x91: {  	v48 =	vld [tilespmem:s17+$0x8C30];
	v8 =	vadd.f32 v13, v8;
	v7 =	vadd.f32 v7, v17  }
0x92: {  	v51 =	vld [tilespmem:s17+$0x8C40];
	v49 =	vadd.f32 v42, v19;
	v50 =	vadd.f32 v44, v20  }
0x93: {  	v52 =	vld [tilespmem:s17+$0x8C50];
	v8 =	vadd.f32 v16, v8;
	v7 =	vadd.f32 v12, v7  }
0x94: {  	v55 =	vld [tilespmem:s17+$0x8C60];
	v53 =	vadd.f32 v45, v49;
	v54 =	vadd.f32 v46, v50  }
0x95: {  	v56 =	vld [tilespmem:s17+$0x8C70];
	v8 =	vadd.f32 v14, v8;
	v7 =	vadd.f32 v15, v7  }
0x96: {  	v57 =	vadd.f32 v47, v53;
	v13 =	vadd.f32 v48, v54  }
0x97: {  	v8 =	vadd.f32 v10, v8;
	v7 =	vadd.f32 v11, v7  }
0x98: {  	v58 =	vadd.f32 v51, v57;
	v59 =	vadd.f32 v52, v13  }
0x99: {  	v6 =	vadd.f32 v6, v8;
	v7 =	vadd.f32 v9, v7  }
0x9a: {  	v60 =	vadd.f32 v55, v58;
	v5 =	vadd.f32 v56, v59  }
0x9b: {  	p1 =	seq.s32 s19, $0x2;
	(xrf2) =	vadd.scan.msk.f32 $0xffff, v3;
	v4 =	vadd.f32 v7, v6  }
0x9c: {  	v3 =	vpsel p1, $0x0, v3;
	(xrf2) =	vadd.scan.msk.f32 $0xffff, v2;
	v5 =	vadd.f32 v5, v60  }
0x9d: {  	s17 =	sadd.s32 @!p0 $0x3, s16;
	v2 =	vpsel p1, $0x0, v2;
	v3 =	vadd.f32 v4, v3  }
0x9e: {  	s18 =	smulhi.u32 @!p0 $0x55555556, s17;
	v2 =	vadd.f32 v5, v2  }
0x9f: {  	(xrf2) =	vadd.scan.msk.f32 $0xffff, v3  }
0xa0: {  	s19 =	simm.s32 $0x8;
	s20 =	smul.u32 @!p0 $0x1FFFD, s18;
	(xrf2) =	vadd.scan.msk.f32 $0xffff, v2  }
0xa1: {  	s26 =	sor.u32 $0x1, s16;
	s19 =	simm.s32 @!p0 $0x0  }
0xa2: {  	s28 =	smulhi.u32 $0x55555556, s26;
	s18 =	sadd.s32 @!p0 s4, s18;
	s17 =	sadd.s32 @!p0 s17, s20  }
0xa3: {  	s18 =	sshll.u32 @!p0 s18, $0x12;
	s17 =	sshll.u32 @!p0 s17, $0xF;
	v4 =	vmov s19  }
0xa4: {  	vm2 =	vmmov vm0;
	s15 =	sadd.s32 $0x1, s15;
	s29 =	smul.u32 $0xFFFFFFFD, s28;
	s17 =	sadd.s32 @!p0 s18, s17  }
0xa5: {  	vm2 =	vmneg @p1 vm2;
	s30 =	sshll.u32 s28, $0x3;
	s17 =	sshrl.u32 @!p0 s17, $0x3;
	s19 =	sor.u32 $0x3, s19;
	v5, _, _ =	vpop (xrf2)  }
0xa6: {  	s20 =	simm.s32 @!p0 $0x8000;
	s17 =	sadd.s32 @!p0 s2, s17;
	vm1 =	veq.s32 v4, v0;
	v61 =	vmov s19;
	s19 =	simm.s32 @!p0 $0x0;
	v4, _, _ =	vpop (xrf2);
	v5 =	vbroadcast v5, $0xF  }
0xa7: {  	vm1 =	vmand vm1, vm2;
	vm3 =	veq.s32 v61, v0;
	[tilespmem:s20], [sflag:$0x2] =	stream.linear.gather @!p0 [hbm4b:s17+s19], $0x8000, $0x38;
	v4 =	vbroadcast v4, $0xF;
	[tilespmem:$0x10080] =	vst v63  }
0xa8: {  	s16 =	sadd.s32 s26, s29;
	p0 =	sne.s32 s15, $0x3;
	v1 =	vsel vm1, v5, v1;
	vm1 =	vmand vm2, vm3;
	v5 =	vmov s30  }
.Ltmp2:
0xa9: {  	s31 =	sor.u32 $0x3, s30;
	p1 =	seq.s32 s16, $0x2;
	vm2 =	vmmov vm0;
	v1 =	vsel vm1, v4, v1;
	vm1 =	veq.s32 v5, v0;
	v62, _, _ =	vpop (xrf2);
	(pc) =	sbr.rel @p0 .LBB2_2-.Ltmp2, $4  }
0xaa: {  	vm2 =	vmneg @p1 vm2;
	v5 =	vmov s31;
	v4 =	vbroadcast v62, $0xF;
	v63, _, _ =	vpop (xrf2)  }
0xab: {  	vm1 =	vmand vm1, vm2;
	vm3 =	veq.s32 v5, v0;
	v5 =	vbroadcast v63, $0xF  }
0xac: {  	v1 =	vsel vm1, v4, v1;
	vm1 =	vmand vm2, vm3  }
0xad: {  	v3 =	vpsel p1, $0x0, v3;
	v2 =	vpsel p1, $0x0, v2;
	v1 =	vsel vm1, v5, v1  }
0xae: {  	s14 =	sadd.s32 $0x1, s14  }
0xaf: {  	p0 =	sne.s32 s14, s8  }
.Ltmp3:
0xb0: {  	[tilespmem:$0x10000] =	vst v1;
	(pc) =	sbr.rel @p0 .LBB2_1-.Ltmp3, $4  }
0xb1: {  	[hbm4b:s7+s3] =	stream.linear.scatter [tilespmem:s12], [sflag:$0x3], $0x80, $0x38;
	[tilespmem:$0x10080] =	vst v63  }
0xb2: {  	_ =	swait.ge [sflag:s13], $0x80  }
0xb3: {  	[sflag:s13] =	ssyncset.done $0x0  }
0xb4: {  	[sflag:s13] =	ssyncadd.s32 $0xFFFFFF80  }
0xb5: {  	_ =	sfence.sel $0x180000  }
0xb6: {  	[bflag:$0x0] =	sbarrier.arrive $0xFFFF  }
0xb7: {  	p0 =	sne.s32 s1, $0x0;
	_ =	strace $0x90000047  }
0xb8: {  	s0 =	sadd.s32 @!p0 $0x100000, s0;
	[bflag:$0x2] =	sbarrier.arrive $0xFFFF  }
0xb9: {  	[sflag:s0] =	ssyncadd.tile.s32 @!p0 $0x1;
	_ =	shalt  }
.Lfunc_end2:
_tile_overlayer_lowered:
.L_overlay_start_2:
0xba: {  	(tag) =	ssettag $0x2  }
0xbb: {  	s0 =	rddreg [dreg:$0x0];
	s2 =	stileid.u32  }
0xbc: {  	s1 =	rddreg [dreg:$0x1];
	p0 =	sne.s32 s2, $0x0  }
0xbd: {  	s3 =	rddreg [dreg:$0x2];
	[bflag:$0x3] =	sbarrier.arrive $0xFFFF;
	s2 =	simm.s32 @!p0 $0x1C03  }
0xbe: {  	[timem:s3], [sflag:s2] =	dma.local @!p0 [hbm:s0], s1  }
0xbf: {  	s0 =	simm.s32 @!p0 $0x3  }
0xc0: {  	_ =	swait.ge @!p0 [sflag:s0], s1  }
0xc1: {  	s1 =	ssub.s32 @!p0 $0x0, s1;
	[sflag:s0] =	ssyncset.done @!p0 $0x0  }
0xc2: {  	[sflag:s0] =	ssyncadd.s32 @!p0 s1  }
0xc3: {  	[bflag:$0x3] =	sbarrier.arrive $0xFFFF  }
0xc4: {  	_ =	shalt  }

</sc_bundles>
